<compile_context>
chip_gen: v7x
topology: tpu7x:2x2x1
jax: 0.10.2.dev20260603
libtpu: 0.0.44.dev20260713+nightly
codegen_flags: <defaults>
</compile_context>

<pallas_src>
import functools

import jax
import jax.numpy as jnp
from jax import lax
from jax.experimental import pallas as pl
from jax.experimental.pallas import tpu as pltpu
from jax.experimental.pallas import tpu_sc as plsc

NC = 2
NS = 16
L = 16
NW = NC * NS
NBUF = 2
C = 16


def kernel(global_info, x, ptr):
    B, D = global_info.shape
    TOTAL = x.shape[0]
    rows_per_w = TOTAL // NW
    nchunks = rows_per_w // C

    mesh = plsc.VectorSubcoreMesh(core_axis_name="c", subcore_axis_name="s")

    @functools.partial(
        pl.kernel,
        out_type=jax.ShapeDtypeStruct((TOTAL, 2 * D), jnp.float32),
        mesh=mesh,
        scratch_types=[
            pltpu.VMEM((L,), jnp.int32),
            [pltpu.VMEM((C, 2 * D), jnp.float32) for _ in range(NBUF)],
            [pltpu.SemaphoreType.DMA for _ in range(NBUF)],
            [pltpu.SemaphoreType.DMA for _ in range(NBUF)],
            [pltpu.SemaphoreType.DMA for _ in range(NBUF)],
        ],
    )
    def run(g_hbm, x_hbm, ptr_hbm, out_hbm, ptr_v, bufs, si, sg, so):
        wid = lax.axis_index("s") * NC + lax.axis_index("c")
        base = wid * rows_per_w

        pltpu.sync_copy(ptr_hbm.at[pl.ds(0, L)], ptr_v)
        pv = ptr_v[...]
        ones = jnp.full((L,), 1, jnp.int32)
        zeros = jnp.zeros((L,), jnp.int32)
        pbs = [
            pv.at[jnp.full((L,), b, jnp.int32)].get(mode="promise_in_bounds")
            for b in range(1, B)
        ]
        pscal = [pv[b] for b in range(1, B)]

        def seg_of(row0):
            rows = row0 + lax.iota(jnp.int32, L)
            seg = zeros
            for pb in pbs:
                seg = seg + jnp.where(pb <= rows, ones, zeros)
            return seg

        def start_in(k, j):
            row0 = base + k * C
            pltpu.async_copy(x_hbm.at[pl.ds(row0, C)],
                             bufs[j].at[:, pl.ds(0, D)], si[j])

        def wait_in(j):
            pltpu.make_async_copy(x_hbm.at[pl.ds(0, C)],
                                  bufs[j].at[:, pl.ds(0, D)], si[j]).wait()

        def start_out(k, j):
            row0 = base + k * C
            pltpu.async_copy(bufs[j], out_hbm.at[pl.ds(row0, C)], so[j])

        def wait_out(j):
            pltpu.make_async_copy(bufs[j], out_hbm.at[pl.ds(0, C)],
                                  so[j]).wait()

        def wait_gather(j):
            pltpu.make_async_copy(x_hbm.at[pl.ds(0, C)],
                                  bufs[j].at[:, pl.ds(D, D)], sg[j]).wait()

        def issue_gather_if_needed(k, j, cur_j, gate):
            row0 = base + k * C
            s0 = jnp.int32(0)
            s1 = jnp.int32(0)
            one = jnp.int32(1)
            zero = jnp.int32(0)
            for pb in pscal:
                s0 = s0 + jnp.where(pb <= row0, one, zero)
                s1 = s1 + jnp.where(pb <= row0 + (C - 1), one, zero)
            need = jnp.logical_and(
                gate, jnp.logical_or(s0 != s1, cur_j != s0))

            @pl.when(need)
            def _():
                pltpu.async_copy(g_hbm.at[seg_of(row0)],
                                 bufs[j].at[:, pl.ds(D, D)], sg[j])

            return jnp.where(s0 == s1, s0, jnp.int32(-1)), need

        start_in(0, 0)
        cur0, pend0 = issue_gather_if_needed(0, 0, jnp.int32(-1),
                                             jnp.bool_(True))

        def step(kb, carry):
            cur = [carry[0], carry[1]]
            pend = [carry[2], carry[3]]
            for j in range(NBUF):
                jn = (j + 1) % NBUF
                k = kb * NBUF + j
                wait_in(j)

                @pl.when(pend[j])
                def _():
                    wait_gather(j)

                start_out(k, j)

                @pl.when(k >= 1)
                def _():
                    wait_out(jn)

                @pl.when(k + 1 < nchunks)
                def _():
                    start_in(k + 1, jn)

                inrange = k + 1 < nchunks
                cur_new, pend_new = issue_gather_if_needed(
                    k + 1, jn, cur[jn], inrange)
                cur[jn] = jnp.where(inrange, cur_new, cur[jn])
                pend[jn] = pend_new
            return (cur[0], cur[1], pend[0], pend[1])

        lax.fori_loop(0, nchunks // NBUF, step,
                      (cur0, jnp.int32(-1), pend0, jnp.bool_(False)))
        wait_out((nchunks - 1) % NBUF)

    return run(global_info, x, ptr)

# --- scband reference (transcript-rebuilt; emitter-appended) ---
"""Pipeline reference for scband-gnn-concatenate-layer-24567212933207 (READ-ONLY COPY).

The authoritative reference and input builder live on the scoring server;
editing this copy changes nothing except your own understanding.
"""

import jax, jax.numpy as jnp
import numpy as np

B = 16
TOTAL = 32768  # batch * max_seqlen / 2
D = 1024
SEG = TOTAL // B  # 2048 nodes per graph (even ragged split)


def setup_inputs(seed: int = 0) -> dict:
    key = jax.random.key(seed)
    k1, k2 = jax.random.split(key)
    global_info = jax.random.normal(k1, (B, D), dtype=jnp.float32)
    x = jax.random.normal(k2, (TOTAL, D), dtype=jnp.float32)
    # ptr is the PyG-style cumulative node-count boundary vector: ptr[0]=0, ptr[-1]=TOTAL
    ptr = (jnp.arange(B + 1, dtype=jnp.int32) * SEG)
    return {"global_info": global_info, "x": x, "ptr": ptr}


def reference(global_info, x, ptr):
    # Torch module: for each graph i, rows ptr[i]:ptr[i+1] of the (width-doubled) x
    # become concat(original_x_rows, tile(global_info[i])).
    # Net effect: out[n] = concat(x[n], global_info[graph_of_node(n)]).
    total = x.shape[0]
    node_ids = jnp.arange(total, dtype=ptr.dtype)
    seg = jnp.searchsorted(ptr, node_ids, side="right") - 1  # graph id per node
    glb = jnp.take(global_info, seg, axis=0)                  # gather [TOTAL, D]
    out = jnp.concatenate([x, glb], axis=-1)                  # [TOTAL, 2D]
    return out

if __name__ == "__main__":
    import jax
    _d = setup_inputs()
    print(jax.jit(kernel)(*tuple(_d.values())))

</pallas_src>

<mosaic_0001>
#map = affine_map<(d0, d1) -> (0, 0)>
#map1 = affine_map<(d0, d1) -> (0)>
module attributes {stable_mosaic.version = 14 : i64} {
  func.func @run(%arg0: i32, %arg1: i32, %arg2: memref<16x1024xf32, #tpu.memory_space<hbm>>, %arg3: memref<32768x1024xf32, #tpu.memory_space<hbm>>, %arg4: memref<17xi32, #tpu.memory_space<hbm>>, %arg5: memref<32768x2048xf32, #tpu.memory_space<hbm>>, %arg6: memref<16xi32, #tpu.memory_space<vmem>>, %arg7: memref<16x2048xf32, #tpu.memory_space<vmem>>, %arg8: memref<16x2048xf32, #tpu.memory_space<vmem>>, %arg9: memref<!tpu.dma_semaphore, #tpu.memory_space<semaphore_mem>>, %arg10: memref<!tpu.dma_semaphore, #tpu.memory_space<semaphore_mem>>, %arg11: memref<!tpu.dma_semaphore, #tpu.memory_space<semaphore_mem>>, %arg12: memref<!tpu.dma_semaphore, #tpu.memory_space<semaphore_mem>>, %arg13: memref<!tpu.dma_semaphore, #tpu.memory_space<semaphore_mem>>, %arg14: memref<!tpu.dma_semaphore, #tpu.memory_space<semaphore_mem>>) attributes {dimension_semantics = [#tpu.dimension_semantics<core_parallel>, #tpu.dimension_semantics<subcore_parallel>], iteration_bounds = array<i64: 2, 16>, scalar_prefetch = 0 : i64, scratch_operands = 9 : i64, tpu.core_type = #tpu.core_type<sc_vector_subcore>, window_params = [{transform_indices = #map}, {transform_indices = #map}, {transform_indices = #map1}, {transform_indices = #map}]} {
    %mul3A = arith.constant 2 : i32
    %mul3A_0 = arith.muli %arg1, %mul3A : i32
    %add3A = arith.addi %mul3A_0, %arg0 : i32
    %mul3A_1 = arith.constant 1024 : i32
    %mul3A_2 = arith.muli %add3A, %mul3A_1 : i32
    "tpu.region"() ({
      %run_scoped3A = tpu.sem_alloc : memref<!tpu.dma_semaphore, #tpu.memory_space<semaphore_mem>>
      %dma_start3A_424 = arith.constant 0 : i32
      %dma_start3A_425 = tpu.memref_slice %arg4[%dma_start3A_424] : memref<17xi32, #tpu.memory_space<hbm>> -> memref<16xi32, #tpu.memory_space<hbm>>
      %dma_start3A_426 = arith.constant 0 : i32
      %dma_start3A_427 = tpu.memref_slice %arg4[%dma_start3A_426] : memref<17xi32, #tpu.memory_space<hbm>> -> memref<16xi32, #tpu.memory_space<hbm>>
      tpu.enqueue_dma source(%dma_start3A_427 : memref<16xi32, #tpu.memory_space<hbm>>) target(%arg6 : memref<16xi32, #tpu.memory_space<vmem>>) target_semaphore(%run_scoped3A : memref<!tpu.dma_semaphore, #tpu.memory_space<semaphore_mem>>)
      %dma_wait3A_428 = arith.constant 0 : i32
      %dma_wait3A_429 = tpu.memref_slice %arg4[%dma_wait3A_428] : memref<17xi32, #tpu.memory_space<hbm>> -> memref<16xi32, #tpu.memory_space<hbm>>
      %dma_wait3A_430 = arith.constant 0 : i32
      %dma_wait3A_431 = tpu.memref_slice %arg4[%dma_wait3A_430] : memref<17xi32, #tpu.memory_space<hbm>> -> memref<16xi32, #tpu.memory_space<hbm>>
      tpu.wait_dma2 semaphore(%run_scoped3A : memref<!tpu.dma_semaphore, #tpu.memory_space<semaphore_mem>>) src(%dma_wait3A_431 : memref<16xi32, #tpu.memory_space<hbm>>) dst(%arg6 : memref<16xi32, #tpu.memory_space<vmem>>)
      tpu.yield
    }) : () -> ()
    %get3A = arith.constant 0 : index
    %get3A_3 = tpu.vector_load %arg6[%get3A] {strides = array<i32>} : memref<16xi32, #tpu.memory_space<vmem>>, vector<16xi32>,
    %get3A_4 = vector.shape_cast %get3A_3 : vector<16xi32> to vector<16xi32>
    %broadcast_in_dim3A = arith.constant 1 : i32
    %broadcast_in_dim3A_5 = vector.broadcast %broadcast_in_dim3A : i32 to vector<16xi32>
    %broadcast_in_dim3A_6 = arith.constant 0 : i32
    %broadcast_in_dim3A_7 = vector.broadcast %broadcast_in_dim3A_6 : i32 to vector<16xi32>
    %broadcast_in_dim3A_8 = arith.constant 1 : i32
    %broadcast_in_dim3A_9 = vector.broadcast %broadcast_in_dim3A_8 : i32 to vector<16xi32>
    %lt3A = arith.constant 0 : i32
    %lt3A_10 = vector.broadcast %lt3A : i32 to vector<16xi32>
    %lt3A_11 = arith.cmpi slt, %broadcast_in_dim3A_9, %lt3A_10 : vector<16xi32>
    %add3A_12 = arith.constant 16 : i32
    %add3A_13 = vector.broadcast %add3A_12 : i32 to vector<16xi32>
    %add3A_14 = arith.addi %broadcast_in_dim3A_9, %add3A_13 : vector<16xi32>
    %select_n3A = arith.select %lt3A_11, %add3A_14, %broadcast_in_dim3A_9 : vector<16xi1>, vector<16xi32>
    %broadcast_in_dim3A_15 = vector.shape_cast %select_n3A : vector<16xi32> to vector<16x1xi32>
    %gather3A = vector.shape_cast %broadcast_in_dim3A_15 : vector<16x1xi32> to vector<16xi32>
    %gather3A_16 = tpu.dynamic_gather %get3A_4[%gather3A] in [0] : vector<16xi32>, vector<16xi32> -> vector<16xi32>
    %broadcast_in_dim3A_17 = arith.constant 2 : i32
    %broadcast_in_dim3A_18 = vector.broadcast %broadcast_in_dim3A_17 : i32 to vector<16xi32>
    %lt3A_19 = arith.constant 0 : i32
    %lt3A_20 = vector.broadcast %lt3A_19 : i32 to vector<16xi32>
    %lt3A_21 = arith.cmpi slt, %broadcast_in_dim3A_18, %lt3A_20 : vector<16xi32>
    %add3A_22 = arith.constant 16 : i32
    %add3A_23 = vector.broadcast %add3A_22 : i32 to vector<16xi32>
    %add3A_24 = arith.addi %broadcast_in_dim3A_18, %add3A_23 : vector<16xi32>
    %select_n3A_25 = arith.select %lt3A_21, %add3A_24, %broadcast_in_dim3A_18 : vector<16xi1>, vector<16xi32>
    %broadcast_in_dim3A_26 = vector.shape_cast %select_n3A_25 : vector<16xi32> to vector<16x1xi32>
    %gather3A_27 = vector.shape_cast %broadcast_in_dim3A_26 : vector<16x1xi32> to vector<16xi32>
    %gather3A_28 = tpu.dynamic_gather %get3A_4[%gather3A_27] in [0] : vector<16xi32>, vector<16xi32> -> vector<16xi32>
    %broadcast_in_dim3A_29 = arith.constant 3 : i32
    %broadcast_in_dim3A_30 = vector.broadcast %broadcast_in_dim3A_29 : i32 to vector<16xi32>
    %lt3A_31 = arith.constant 0 : i32
    %lt3A_32 = vector.broadcast %lt3A_31 : i32 to vector<16xi32>
    %lt3A_33 = arith.cmpi slt, %broadcast_in_dim3A_30, %lt3A_32 : vector<16xi32>
    %add3A_34 = arith.constant 16 : i32
    %add3A_35 = vector.broadcast %add3A_34 : i32 to vector<16xi32>
    %add3A_36 = arith.addi %broadcast_in_dim3A_30, %add3A_35 : vector<16xi32>
    %select_n3A_37 = arith.select %lt3A_33, %add3A_36, %broadcast_in_dim3A_30 : vector<16xi1>, vector<16xi32>
    %broadcast_in_dim3A_38 = vector.shape_cast %select_n3A_37 : vector<16xi32> to vector<16x1xi32>
    %gather3A_39 = vector.shape_cast %broadcast_in_dim3A_38 : vector<16x1xi32> to vector<16xi32>
    %gather3A_40 = tpu.dynamic_gather %get3A_4[%gather3A_39] in [0] : vector<16xi32>, vector<16xi32> -> vector<16xi32>
    %broadcast_in_dim3A_41 = arith.constant 4 : i32
    %broadcast_in_dim3A_42 = vector.broadcast %broadcast_in_dim3A_41 : i32 to vector<16xi32>
    %lt3A_43 = arith.constant 0 : i32
    %lt3A_44 = vector.broadcast %lt3A_43 : i32 to vector<16xi32>
    %lt3A_45 = arith.cmpi slt, %broadcast_in_dim3A_42, %lt3A_44 : vector<16xi32>
    %add3A_46 = arith.constant 16 : i32
    %add3A_47 = vector.broadcast %add3A_46 : i32 to vector<16xi32>
    %add3A_48 = arith.addi %broadcast_in_dim3A_42, %add3A_47 : vector<16xi32>
    %select_n3A_49 = arith.select %lt3A_45, %add3A_48, %broadcast_in_dim3A_42 : vector<16xi1>, vector<16xi32>
    %broadcast_in_dim3A_50 = vector.shape_cast %select_n3A_49 : vector<16xi32> to vector<16x1xi32>
    %gather3A_51 = vector.shape_cast %broadcast_in_dim3A_50 : vector<16x1xi32> to vector<16xi32>
    %gather3A_52 = tpu.dynamic_gather %get3A_4[%gather3A_51] in [0] : vector<16xi32>, vector<16xi32> -> vector<16xi32>
    %broadcast_in_dim3A_53 = arith.constant 5 : i32
    %broadcast_in_dim3A_54 = vector.broadcast %broadcast_in_dim3A_53 : i32 to vector<16xi32>
    %lt3A_55 = arith.constant 0 : i32
    %lt3A_56 = vector.broadcast %lt3A_55 : i32 to vector<16xi32>
    %lt3A_57 = arith.cmpi slt, %broadcast_in_dim3A_54, %lt3A_56 : vector<16xi32>
    %add3A_58 = arith.constant 16 : i32
    %add3A_59 = vector.broadcast %add3A_58 : i32 to vector<16xi32>
    %add3A_60 = arith.addi %broadcast_in_dim3A_54, %add3A_59 : vector<16xi32>
    %select_n3A_61 = arith.select %lt3A_57, %add3A_60, %broadcast_in_dim3A_54 : vector<16xi1>, vector<16xi32>
    %broadcast_in_dim3A_62 = vector.shape_cast %select_n3A_61 : vector<16xi32> to vector<16x1xi32>
    %gather3A_63 = vector.shape_cast %broadcast_in_dim3A_62 : vector<16x1xi32> to vector<16xi32>
    %gather3A_64 = tpu.dynamic_gather %get3A_4[%gather3A_63] in [0] : vector<16xi32>, vector<16xi32> -> vector<16xi32>
    %broadcast_in_dim3A_65 = arith.constant 6 : i32
    %broadcast_in_dim3A_66 = vector.broadcast %broadcast_in_dim3A_65 : i32 to vector<16xi32>
    %lt3A_67 = arith.constant 0 : i32
    %lt3A_68 = vector.broadcast %lt3A_67 : i32 to vector<16xi32>
    %lt3A_69 = arith.cmpi slt, %broadcast_in_dim3A_66, %lt3A_68 : vector<16xi32>
    %add3A_70 = arith.constant 16 : i32
    %add3A_71 = vector.broadcast %add3A_70 : i32 to vector<16xi32>
    %add3A_72 = arith.addi %broadcast_in_dim3A_66, %add3A_71 : vector<16xi32>
    %select_n3A_73 = arith.select %lt3A_69, %add3A_72, %broadcast_in_dim3A_66 : vector<16xi1>, vector<16xi32>
    %broadcast_in_dim3A_74 = vector.shape_cast %select_n3A_73 : vector<16xi32> to vector<16x1xi32>
    %gather3A_75 = vector.shape_cast %broadcast_in_dim3A_74 : vector<16x1xi32> to vector<16xi32>
    %gather3A_76 = tpu.dynamic_gather %get3A_4[%gather3A_75] in [0] : vector<16xi32>, vector<16xi32> -> vector<16xi32>
    %broadcast_in_dim3A_77 = arith.constant 7 : i32
    %broadcast_in_dim3A_78 = vector.broadcast %broadcast_in_dim3A_77 : i32 to vector<16xi32>
    %lt3A_79 = arith.constant 0 : i32
    %lt3A_80 = vector.broadcast %lt3A_79 : i32 to vector<16xi32>
    %lt3A_81 = arith.cmpi slt, %broadcast_in_dim3A_78, %lt3A_80 : vector<16xi32>
    %add3A_82 = arith.constant 16 : i32
    %add3A_83 = vector.broadcast %add3A_82 : i32 to vector<16xi32>
    %add3A_84 = arith.addi %broadcast_in_dim3A_78, %add3A_83 : vector<16xi32>
    %select_n3A_85 = arith.select %lt3A_81, %add3A_84, %broadcast_in_dim3A_78 : vector<16xi1>, vector<16xi32>
    %broadcast_in_dim3A_86 = vector.shape_cast %select_n3A_85 : vector<16xi32> to vector<16x1xi32>
    %gather3A_87 = vector.shape_cast %broadcast_in_dim3A_86 : vector<16x1xi32> to vector<16xi32>
    %gather3A_88 = tpu.dynamic_gather %get3A_4[%gather3A_87] in [0] : vector<16xi32>, vector<16xi32> -> vector<16xi32>
    %broadcast_in_dim3A_89 = arith.constant 8 : i32
    %broadcast_in_dim3A_90 = vector.broadcast %broadcast_in_dim3A_89 : i32 to vector<16xi32>
    %lt3A_91 = arith.constant 0 : i32
    %lt3A_92 = vector.broadcast %lt3A_91 : i32 to vector<16xi32>
    %lt3A_93 = arith.cmpi slt, %broadcast_in_dim3A_90, %lt3A_92 : vector<16xi32>
    %add3A_94 = arith.constant 16 : i32
    %add3A_95 = vector.broadcast %add3A_94 : i32 to vector<16xi32>
    %add3A_96 = arith.addi %broadcast_in_dim3A_90, %add3A_95 : vector<16xi32>
    %select_n3A_97 = arith.select %lt3A_93, %add3A_96, %broadcast_in_dim3A_90 : vector<16xi1>, vector<16xi32>
    %broadcast_in_dim3A_98 = vector.shape_cast %select_n3A_97 : vector<16xi32> to vector<16x1xi32>
    %gather3A_99 = vector.shape_cast %broadcast_in_dim3A_98 : vector<16x1xi32> to vector<16xi32>
    %gather3A_100 = tpu.dynamic_gather %get3A_4[%gather3A_99] in [0] : vector<16xi32>, vector<16xi32> -> vector<16xi32>
    %broadcast_in_dim3A_101 = arith.constant 9 : i32
    %broadcast_in_dim3A_102 = vector.broadcast %broadcast_in_dim3A_101 : i32 to vector<16xi32>
    %lt3A_103 = arith.constant 0 : i32
    %lt3A_104 = vector.broadcast %lt3A_103 : i32 to vector<16xi32>
    %lt3A_105 = arith.cmpi slt, %broadcast_in_dim3A_102, %lt3A_104 : vector<16xi32>
    %add3A_106 = arith.constant 16 : i32
    %add3A_107 = vector.broadcast %add3A_106 : i32 to vector<16xi32>
    %add3A_108 = arith.addi %broadcast_in_dim3A_102, %add3A_107 : vector<16xi32>
    %select_n3A_109 = arith.select %lt3A_105, %add3A_108, %broadcast_in_dim3A_102 : vector<16xi1>, vector<16xi32>
    %broadcast_in_dim3A_110 = vector.shape_cast %select_n3A_109 : vector<16xi32> to vector<16x1xi32>
    %gather3A_111 = vector.shape_cast %broadcast_in_dim3A_110 : vector<16x1xi32> to vector<16xi32>
    %gather3A_112 = tpu.dynamic_gather %get3A_4[%gather3A_111] in [0] : vector<16xi32>, vector<16xi32> -> vector<16xi32>
    %broadcast_in_dim3A_113 = arith.constant 10 : i32
    %broadcast_in_dim3A_114 = vector.broadcast %broadcast_in_dim3A_113 : i32 to vector<16xi32>
    %lt3A_115 = arith.constant 0 : i32
    %lt3A_116 = vector.broadcast %lt3A_115 : i32 to vector<16xi32>
    %lt3A_117 = arith.cmpi slt, %broadcast_in_dim3A_114, %lt3A_116 : vector<16xi32>
    %add3A_118 = arith.constant 16 : i32
    %add3A_119 = vector.broadcast %add3A_118 : i32 to vector<16xi32>
    %add3A_120 = arith.addi %broadcast_in_dim3A_114, %add3A_119 : vector<16xi32>
    %select_n3A_121 = arith.select %lt3A_117, %add3A_120, %broadcast_in_dim3A_114 : vector<16xi1>, vector<16xi32>
    %broadcast_in_dim3A_122 = vector.shape_cast %select_n3A_121 : vector<16xi32> to vector<16x1xi32>
    %gather3A_123 = vector.shape_cast %broadcast_in_dim3A_122 : vector<16x1xi32> to vector<16xi32>
    %gather3A_124 = tpu.dynamic_gather %get3A_4[%gather3A_123] in [0] : vector<16xi32>, vector<16xi32> -> vector<16xi32>
    %broadcast_in_dim3A_125 = arith.constant 11 : i32
    %broadcast_in_dim3A_126 = vector.broadcast %broadcast_in_dim3A_125 : i32 to vector<16xi32>
    %lt3A_127 = arith.constant 0 : i32
    %lt3A_128 = vector.broadcast %lt3A_127 : i32 to vector<16xi32>
    %lt3A_129 = arith.cmpi slt, %broadcast_in_dim3A_126, %lt3A_128 : vector<16xi32>
    %add3A_130 = arith.constant 16 : i32
    %add3A_131 = vector.broadcast %add3A_130 : i32 to vector<16xi32>
    %add3A_132 = arith.addi %broadcast_in_dim3A_126, %add3A_131 : vector<16xi32>
    %select_n3A_133 = arith.select %lt3A_129, %add3A_132, %broadcast_in_dim3A_126 : vector<16xi1>, vector<16xi32>
    %broadcast_in_dim3A_134 = vector.shape_cast %select_n3A_133 : vector<16xi32> to vector<16x1xi32>
    %gather3A_135 = vector.shape_cast %broadcast_in_dim3A_134 : vector<16x1xi32> to vector<16xi32>
    %gather3A_136 = tpu.dynamic_gather %get3A_4[%gather3A_135] in [0] : vector<16xi32>, vector<16xi32> -> vector<16xi32>
    %broadcast_in_dim3A_137 = arith.constant 12 : i32
    %broadcast_in_dim3A_138 = vector.broadcast %broadcast_in_dim3A_137 : i32 to vector<16xi32>
    %lt3A_139 = arith.constant 0 : i32
    %lt3A_140 = vector.broadcast %lt3A_139 : i32 to vector<16xi32>
    %lt3A_141 = arith.cmpi slt, %broadcast_in_dim3A_138, %lt3A_140 : vector<16xi32>
    %add3A_142 = arith.constant 16 : i32
    %add3A_143 = vector.broadcast %add3A_142 : i32 to vector<16xi32>
    %add3A_144 = arith.addi %broadcast_in_dim3A_138, %add3A_143 : vector<16xi32>
    %select_n3A_145 = arith.select %lt3A_141, %add3A_144, %broadcast_in_dim3A_138 : vector<16xi1>, vector<16xi32>
    %broadcast_in_dim3A_146 = vector.shape_cast %select_n3A_145 : vector<16xi32> to vector<16x1xi32>
    %gather3A_147 = vector.shape_cast %broadcast_in_dim3A_146 : vector<16x1xi32> to vector<16xi32>
    %gather3A_148 = tpu.dynamic_gather %get3A_4[%gather3A_147] in [0] : vector<16xi32>, vector<16xi32> -> vector<16xi32>
    %broadcast_in_dim3A_149 = arith.constant 13 : i32
    %broadcast_in_dim3A_150 = vector.broadcast %broadcast_in_dim3A_149 : i32 to vector<16xi32>
    %lt3A_151 = arith.constant 0 : i32
    %lt3A_152 = vector.broadcast %lt3A_151 : i32 to vector<16xi32>
    %lt3A_153 = arith.cmpi slt, %broadcast_in_dim3A_150, %lt3A_152 : vector<16xi32>
    %add3A_154 = arith.constant 16 : i32
    %add3A_155 = vector.broadcast %add3A_154 : i32 to vector<16xi32>
    %add3A_156 = arith.addi %broadcast_in_dim3A_150, %add3A_155 : vector<16xi32>
    %select_n3A_157 = arith.select %lt3A_153, %add3A_156, %broadcast_in_dim3A_150 : vector<16xi1>, vector<16xi32>
    %broadcast_in_dim3A_158 = vector.shape_cast %select_n3A_157 : vector<16xi32> to vector<16x1xi32>
    %gather3A_159 = vector.shape_cast %broadcast_in_dim3A_158 : vector<16x1xi32> to vector<16xi32>
    %gather3A_160 = tpu.dynamic_gather %get3A_4[%gather3A_159] in [0] : vector<16xi32>, vector<16xi32> -> vector<16xi32>
    %broadcast_in_dim3A_161 = arith.constant 14 : i32
    %broadcast_in_dim3A_162 = vector.broadcast %broadcast_in_dim3A_161 : i32 to vector<16xi32>
    %lt3A_163 = arith.constant 0 : i32
    %lt3A_164 = vector.broadcast %lt3A_163 : i32 to vector<16xi32>
    %lt3A_165 = arith.cmpi slt, %broadcast_in_dim3A_162, %lt3A_164 : vector<16xi32>
    %add3A_166 = arith.constant 16 : i32
    %add3A_167 = vector.broadcast %add3A_166 : i32 to vector<16xi32>
    %add3A_168 = arith.addi %broadcast_in_dim3A_162, %add3A_167 : vector<16xi32>
    %select_n3A_169 = arith.select %lt3A_165, %add3A_168, %broadcast_in_dim3A_162 : vector<16xi1>, vector<16xi32>
    %broadcast_in_dim3A_170 = vector.shape_cast %select_n3A_169 : vector<16xi32> to vector<16x1xi32>
    %gather3A_171 = vector.shape_cast %broadcast_in_dim3A_170 : vector<16x1xi32> to vector<16xi32>
    %gather3A_172 = tpu.dynamic_gather %get3A_4[%gather3A_171] in [0] : vector<16xi32>, vector<16xi32> -> vector<16xi32>
    %broadcast_in_dim3A_173 = arith.constant 15 : i32
    %broadcast_in_dim3A_174 = vector.broadcast %broadcast_in_dim3A_173 : i32 to vector<16xi32>
    %lt3A_175 = arith.constant 0 : i32
    %lt3A_176 = vector.broadcast %lt3A_175 : i32 to vector<16xi32>
    %lt3A_177 = arith.cmpi slt, %broadcast_in_dim3A_174, %lt3A_176 : vector<16xi32>
    %add3A_178 = arith.constant 16 : i32
    %add3A_179 = vector.broadcast %add3A_178 : i32 to vector<16xi32>
    %add3A_180 = arith.addi %broadcast_in_dim3A_174, %add3A_179 : vector<16xi32>
    %select_n3A_181 = arith.select %lt3A_177, %add3A_180, %broadcast_in_dim3A_174 : vector<16xi1>, vector<16xi32>
    %broadcast_in_dim3A_182 = vector.shape_cast %select_n3A_181 : vector<16xi32> to vector<16x1xi32>
    %gather3A_183 = vector.shape_cast %broadcast_in_dim3A_182 : vector<16x1xi32> to vector<16xi32>
    %gather3A_184 = tpu.dynamic_gather %get3A_4[%gather3A_183] in [0] : vector<16xi32>, vector<16xi32> -> vector<16xi32>
    %slice3A = vector.extract_strided_slice %get3A_4 {offsets = [1], sizes = [1], strides = [1]} : vector<16xi32> to vector<1xi32>
    %squeeze3A = vector.extract %slice3A[0] : i32 from vector<1xi32>
    %slice3A_185 = vector.extract_strided_slice %get3A_4 {offsets = [2], sizes = [1], strides = [1]} : vector<16xi32> to vector<1xi32>
    %squeeze3A_186 = vector.extract %slice3A_185[0] : i32 from vector<1xi32>
    %slice3A_187 = vector.extract_strided_slice %get3A_4 {offsets = [3], sizes = [1], strides = [1]} : vector<16xi32> to vector<1xi32>
    %squeeze3A_188 = vector.extract %slice3A_187[0] : i32 from vector<1xi32>
    %slice3A_189 = vector.extract_strided_slice %get3A_4 {offsets = [4], sizes = [1], strides = [1]} : vector<16xi32> to vector<1xi32>
    %squeeze3A_190 = vector.extract %slice3A_189[0] : i32 from vector<1xi32>
    %slice3A_191 = vector.extract_strided_slice %get3A_4 {offsets = [5], sizes = [1], strides = [1]} : vector<16xi32> to vector<1xi32>
    %squeeze3A_192 = vector.extract %slice3A_191[0] : i32 from vector<1xi32>
    %slice3A_193 = vector.extract_strided_slice %get3A_4 {offsets = [6], sizes = [1], strides = [1]} : vector<16xi32> to vector<1xi32>
    %squeeze3A_194 = vector.extract %slice3A_193[0] : i32 from vector<1xi32>
    %slice3A_195 = vector.extract_strided_slice %get3A_4 {offsets = [7], sizes = [1], strides = [1]} : vector<16xi32> to vector<1xi32>
    %squeeze3A_196 = vector.extract %slice3A_195[0] : i32 from vector<1xi32>
    %slice3A_197 = vector.extract_strided_slice %get3A_4 {offsets = [8], sizes = [1], strides = [1]} : vector<16xi32> to vector<1xi32>
    %squeeze3A_198 = vector.extract %slice3A_197[0] : i32 from vector<1xi32>
    %slice3A_199 = vector.extract_strided_slice %get3A_4 {offsets = [9], sizes = [1], strides = [1]} : vector<16xi32> to vector<1xi32>
    %squeeze3A_200 = vector.extract %slice3A_199[0] : i32 from vector<1xi32>
    %slice3A_201 = vector.extract_strided_slice %get3A_4 {offsets = [10], sizes = [1], strides = [1]} : vector<16xi32> to vector<1xi32>
    %squeeze3A_202 = vector.extract %slice3A_201[0] : i32 from vector<1xi32>
    %slice3A_203 = vector.extract_strided_slice %get3A_4 {offsets = [11], sizes = [1], strides = [1]} : vector<16xi32> to vector<1xi32>
    %squeeze3A_204 = vector.extract %slice3A_203[0] : i32 from vector<1xi32>
    %slice3A_205 = vector.extract_strided_slice %get3A_4 {offsets = [12], sizes = [1], strides = [1]} : vector<16xi32> to vector<1xi32>
    %squeeze3A_206 = vector.extract %slice3A_205[0] : i32 from vector<1xi32>
    %slice3A_207 = vector.extract_strided_slice %get3A_4 {offsets = [13], sizes = [1], strides = [1]} : vector<16xi32> to vector<1xi32>
    %squeeze3A_208 = vector.extract %slice3A_207[0] : i32 from vector<1xi32>
    %slice3A_209 = vector.extract_strided_slice %get3A_4 {offsets = [14], sizes = [1], strides = [1]} : vector<16xi32> to vector<1xi32>
    %squeeze3A_210 = vector.extract %slice3A_209[0] : i32 from vector<1xi32>
    %slice3A_211 = vector.extract_strided_slice %get3A_4 {offsets = [15], sizes = [1], strides = [1]} : vector<16xi32> to vector<1xi32>
    %squeeze3A_212 = vector.extract %slice3A_211[0] : i32 from vector<1xi32>
    %add3A_213 = arith.constant 0 : i32
    %add3A_214 = arith.addi %mul3A_2, %add3A_213 : i32
    %dma_start3A = arith.constant 0 : i32
    %dma_start3A_215 = arith.constant 0 : i32
    %dma_start3A_216 = tpu.memref_slice %arg7[%dma_start3A, %dma_start3A_215] : memref<16x2048xf32, #tpu.memory_space<vmem>> -> memref<16x1024xf32, #tpu.memory_space<vmem>>
    %dma_start3A_217 = arith.constant 0 : i32
    %dma_start3A_218 = tpu.memref_slice %arg3[%add3A_214, %dma_start3A_217] : memref<32768x1024xf32, #tpu.memory_space<hbm>> -> memref<16x1024xf32, #tpu.memory_space<hbm>>
    %dma_start3A_219 = arith.constant 0 : i32
    %dma_start3A_220 = arith.constant 0 : i32
    %dma_start3A_221 = tpu.memref_slice %arg7[%dma_start3A_219, %dma_start3A_220] : memref<16x2048xf32, #tpu.memory_space<vmem>> -> memref<16x1024xf32, #tpu.memory_space<vmem>>
    %dma_start3A_222 = arith.constant 0 : i32
    %dma_start3A_223 = tpu.memref_slice %arg3[%add3A_214, %dma_start3A_222] : memref<32768x1024xf32, #tpu.memory_space<hbm>> -> memref<16x1024xf32, #tpu.memory_space<hbm>>
    tpu.enqueue_dma source(%dma_start3A_223 : memref<16x1024xf32, #tpu.memory_space<hbm>>) target(%dma_start3A_221 : memref<16x1024xf32, #tpu.memory_space<vmem>>) target_semaphore(%arg9 : memref<!tpu.dma_semaphore, #tpu.memory_space<semaphore_mem>>)
    %add3A_224 = arith.constant 0 : i32
    %add3A_225 = arith.addi %mul3A_2, %add3A_224 : i32
    %le3A = arith.cmpi sle, %squeeze3A, %add3A_225 : i32
    %jit3A = arith.constant 1 : i32
    %jit3A_226 = arith.constant 0 : i32
    %select_n3A_227 = arith.select %le3A, %jit3A, %jit3A_226 : i32
    %add3A_228 = arith.constant 0 : i32
    %add3A_229 = arith.addi %add3A_228, %select_n3A_227 : i32
    %add3A_230 = arith.constant 15 : i32
    %add3A_231 = arith.addi %add3A_225, %add3A_230 : i32
    %le3A_232 = arith.cmpi sle, %squeeze3A, %add3A_231 : i32
    %jit3A_233 = arith.constant 1 : i32
    %jit3A_234 = arith.constant 0 : i32
    %select_n3A_235 = arith.select %le3A_232, %jit3A_233, %jit3A_234 : i32
    %add3A_236 = arith.constant 0 : i32
    %add3A_237 = arith.addi %add3A_236, %select_n3A_235 : i32
    %le3A_238 = arith.cmpi sle, %squeeze3A_186, %add3A_225 : i32
    %jit3A_239 = arith.constant 1 : i32
    %jit3A_240 = arith.constant 0 : i32
    %select_n3A_241 = arith.select %le3A_238, %jit3A_239, %jit3A_240 : i32
    %add3A_242 = arith.addi %add3A_229, %select_n3A_241 : i32
    %add3A_243 = arith.constant 15 : i32
    %add3A_244 = arith.addi %add3A_225, %add3A_243 : i32
    %le3A_245 = arith.cmpi sle, %squeeze3A_186, %add3A_244 : i32
    %jit3A_246 = arith.constant 1 : i32
    %jit3A_247 = arith.constant 0 : i32
    %select_n3A_248 = arith.select %le3A_245, %jit3A_246, %jit3A_247 : i32
    %add3A_249 = arith.addi %add3A_237, %select_n3A_248 : i32
    %le3A_250 = arith.cmpi sle, %squeeze3A_188, %add3A_225 : i32
    %jit3A_251 = arith.constant 1 : i32
    %jit3A_252 = arith.constant 0 : i32
    %select_n3A_253 = arith.select %le3A_250, %jit3A_251, %jit3A_252 : i32
    %add3A_254 = arith.addi %add3A_242, %select_n3A_253 : i32
    %add3A_255 = arith.constant 15 : i32
    %add3A_256 = arith.addi %add3A_225, %add3A_255 : i32
    %le3A_257 = arith.cmpi sle, %squeeze3A_188, %add3A_256 : i32
    %jit3A_258 = arith.constant 1 : i32
    %jit3A_259 = arith.constant 0 : i32
    %select_n3A_260 = arith.select %le3A_257, %jit3A_258, %jit3A_259 : i32
    %add3A_261 = arith.addi %add3A_249, %select_n3A_260 : i32
    %le3A_262 = arith.cmpi sle, %squeeze3A_190, %add3A_225 : i32
    %jit3A_263 = arith.constant 1 : i32
    %jit3A_264 = arith.constant 0 : i32
    %select_n3A_265 = arith.select %le3A_262, %jit3A_263, %jit3A_264 : i32
    %add3A_266 = arith.addi %add3A_254, %select_n3A_265 : i32
    %add3A_267 = arith.constant 15 : i32
    %add3A_268 = arith.addi %add3A_225, %add3A_267 : i32
    %le3A_269 = arith.cmpi sle, %squeeze3A_190, %add3A_268 : i32
    %jit3A_270 = arith.constant 1 : i32
    %jit3A_271 = arith.constant 0 : i32
    %select_n3A_272 = arith.select %le3A_269, %jit3A_270, %jit3A_271 : i32
    %add3A_273 = arith.addi %add3A_261, %select_n3A_272 : i32
    %le3A_274 = arith.cmpi sle, %squeeze3A_192, %add3A_225 : i32
    %jit3A_275 = arith.constant 1 : i32
    %jit3A_276 = arith.constant 0 : i32
    %select_n3A_277 = arith.select %le3A_274, %jit3A_275, %jit3A_276 : i32
    %add3A_278 = arith.addi %add3A_266, %select_n3A_277 : i32
    %add3A_279 = arith.constant 15 : i32
    %add3A_280 = arith.addi %add3A_225, %add3A_279 : i32
    %le3A_281 = arith.cmpi sle, %squeeze3A_192, %add3A_280 : i32
    %jit3A_282 = arith.constant 1 : i32
    %jit3A_283 = arith.constant 0 : i32
    %select_n3A_284 = arith.select %le3A_281, %jit3A_282, %jit3A_283 : i32
    %add3A_285 = arith.addi %add3A_273, %select_n3A_284 : i32
    %le3A_286 = arith.cmpi sle, %squeeze3A_194, %add3A_225 : i32
    %jit3A_287 = arith.constant 1 : i32
    %jit3A_288 = arith.constant 0 : i32
    %select_n3A_289 = arith.select %le3A_286, %jit3A_287, %jit3A_288 : i32
    %add3A_290 = arith.addi %add3A_278, %select_n3A_289 : i32
    %add3A_291 = arith.constant 15 : i32
    %add3A_292 = arith.addi %add3A_225, %add3A_291 : i32
    %le3A_293 = arith.cmpi sle, %squeeze3A_194, %add3A_292 : i32
    %jit3A_294 = arith.constant 1 : i32
    %jit3A_295 = arith.constant 0 : i32
    %select_n3A_296 = arith.select %le3A_293, %jit3A_294, %jit3A_295 : i32
    %add3A_297 = arith.addi %add3A_285, %select_n3A_296 : i32
    %le3A_298 = arith.cmpi sle, %squeeze3A_196, %add3A_225 : i32
    %jit3A_299 = arith.constant 1 : i32
    %jit3A_300 = arith.constant 0 : i32
    %select_n3A_301 = arith.select %le3A_298, %jit3A_299, %jit3A_300 : i32
    %add3A_302 = arith.addi %add3A_290, %select_n3A_301 : i32
    %add3A_303 = arith.constant 15 : i32
    %add3A_304 = arith.addi %add3A_225, %add3A_303 : i32
    %le3A_305 = arith.cmpi sle, %squeeze3A_196, %add3A_304 : i32
    %jit3A_306 = arith.constant 1 : i32
    %jit3A_307 = arith.constant 0 : i32
    %select_n3A_308 = arith.select %le3A_305, %jit3A_306, %jit3A_307 : i32
    %add3A_309 = arith.addi %add3A_297, %select_n3A_308 : i32
    %le3A_310 = arith.cmpi sle, %squeeze3A_198, %add3A_225 : i32
    %jit3A_311 = arith.constant 1 : i32
    %jit3A_312 = arith.constant 0 : i32
    %select_n3A_313 = arith.select %le3A_310, %jit3A_311, %jit3A_312 : i32
    %add3A_314 = arith.addi %add3A_302, %select_n3A_313 : i32
    %add3A_315 = arith.constant 15 : i32
    %add3A_316 = arith.addi %add3A_225, %add3A_315 : i32
    %le3A_317 = arith.cmpi sle, %squeeze3A_198, %add3A_316 : i32
    %jit3A_318 = arith.constant 1 : i32
    %jit3A_319 = arith.constant 0 : i32
    %select_n3A_320 = arith.select %le3A_317, %jit3A_318, %jit3A_319 : i32
    %add3A_321 = arith.addi %add3A_309, %select_n3A_320 : i32
    %le3A_322 = arith.cmpi sle, %squeeze3A_200, %add3A_225 : i32
    %jit3A_323 = arith.constant 1 : i32
    %jit3A_324 = arith.constant 0 : i32
    %select_n3A_325 = arith.select %le3A_322, %jit3A_323, %jit3A_324 : i32
    %add3A_326 = arith.addi %add3A_314, %select_n3A_325 : i32
    %add3A_327 = arith.constant 15 : i32
    %add3A_328 = arith.addi %add3A_225, %add3A_327 : i32
    %le3A_329 = arith.cmpi sle, %squeeze3A_200, %add3A_328 : i32
    %jit3A_330 = arith.constant 1 : i32
    %jit3A_331 = arith.constant 0 : i32
    %select_n3A_332 = arith.select %le3A_329, %jit3A_330, %jit3A_331 : i32
    %add3A_333 = arith.addi %add3A_321, %select_n3A_332 : i32
    %le3A_334 = arith.cmpi sle, %squeeze3A_202, %add3A_225 : i32
    %jit3A_335 = arith.constant 1 : i32
    %jit3A_336 = arith.constant 0 : i32
    %select_n3A_337 = arith.select %le3A_334, %jit3A_335, %jit3A_336 : i32
    %add3A_338 = arith.addi %add3A_326, %select_n3A_337 : i32
    %add3A_339 = arith.constant 15 : i32
    %add3A_340 = arith.addi %add3A_225, %add3A_339 : i32
    %le3A_341 = arith.cmpi sle, %squeeze3A_202, %add3A_340 : i32
    %jit3A_342 = arith.constant 1 : i32
    %jit3A_343 = arith.constant 0 : i32
    %select_n3A_344 = arith.select %le3A_341, %jit3A_342, %jit3A_343 : i32
    %add3A_345 = arith.addi %add3A_333, %select_n3A_344 : i32
    %le3A_346 = arith.cmpi sle, %squeeze3A_204, %add3A_225 : i32
    %jit3A_347 = arith.constant 1 : i32
    %jit3A_348 = arith.constant 0 : i32
    %select_n3A_349 = arith.select %le3A_346, %jit3A_347, %jit3A_348 : i32
    %add3A_350 = arith.addi %add3A_338, %select_n3A_349 : i32
    %add3A_351 = arith.constant 15 : i32
    %add3A_352 = arith.addi %add3A_225, %add3A_351 : i32
    %le3A_353 = arith.cmpi sle, %squeeze3A_204, %add3A_352 : i32
    %jit3A_354 = arith.constant 1 : i32
    %jit3A_355 = arith.constant 0 : i32
    %select_n3A_356 = arith.select %le3A_353, %jit3A_354, %jit3A_355 : i32
    %add3A_357 = arith.addi %add3A_345, %select_n3A_356 : i32
    %le3A_358 = arith.cmpi sle, %squeeze3A_206, %add3A_225 : i32
    %jit3A_359 = arith.constant 1 : i32
    %jit3A_360 = arith.constant 0 : i32
    %select_n3A_361 = arith.select %le3A_358, %jit3A_359, %jit3A_360 : i32
    %add3A_362 = arith.addi %add3A_350, %select_n3A_361 : i32
    %add3A_363 = arith.constant 15 : i32
    %add3A_364 = arith.addi %add3A_225, %add3A_363 : i32
    %le3A_365 = arith.cmpi sle, %squeeze3A_206, %add3A_364 : i32
    %jit3A_366 = arith.constant 1 : i32
    %jit3A_367 = arith.constant 0 : i32
    %select_n3A_368 = arith.select %le3A_365, %jit3A_366, %jit3A_367 : i32
    %add3A_369 = arith.addi %add3A_357, %select_n3A_368 : i32
    %le3A_370 = arith.cmpi sle, %squeeze3A_208, %add3A_225 : i32
    %jit3A_371 = arith.constant 1 : i32
    %jit3A_372 = arith.constant 0 : i32
    %select_n3A_373 = arith.select %le3A_370, %jit3A_371, %jit3A_372 : i32
    %add3A_374 = arith.addi %add3A_362, %select_n3A_373 : i32
    %add3A_375 = arith.constant 15 : i32
    %add3A_376 = arith.addi %add3A_225, %add3A_375 : i32
    %le3A_377 = arith.cmpi sle, %squeeze3A_208, %add3A_376 : i32
    %jit3A_378 = arith.constant 1 : i32
    %jit3A_379 = arith.constant 0 : i32
    %select_n3A_380 = arith.select %le3A_377, %jit3A_378, %jit3A_379 : i32
    %add3A_381 = arith.addi %add3A_369, %select_n3A_380 : i32
    %le3A_382 = arith.cmpi sle, %squeeze3A_210, %add3A_225 : i32
    %jit3A_383 = arith.constant 1 : i32
    %jit3A_384 = arith.constant 0 : i32
    %select_n3A_385 = arith.select %le3A_382, %jit3A_383, %jit3A_384 : i32
    %add3A_386 = arith.addi %add3A_374, %select_n3A_385 : i32
    %add3A_387 = arith.constant 15 : i32
    %add3A_388 = arith.addi %add3A_225, %add3A_387 : i32
    %le3A_389 = arith.cmpi sle, %squeeze3A_210, %add3A_388 : i32
    %jit3A_390 = arith.constant 1 : i32
    %jit3A_391 = arith.constant 0 : i32
    %select_n3A_392 = arith.select %le3A_389, %jit3A_390, %jit3A_391 : i32
    %add3A_393 = arith.addi %add3A_381, %select_n3A_392 : i32
    %le3A_394 = arith.cmpi sle, %squeeze3A_212, %add3A_225 : i32
    %jit3A_395 = arith.constant 1 : i32
    %jit3A_396 = arith.constant 0 : i32
    %select_n3A_397 = arith.select %le3A_394, %jit3A_395, %jit3A_396 : i32
    %add3A_398 = arith.addi %add3A_386, %select_n3A_397 : i32
    %add3A_399 = arith.constant 15 : i32
    %add3A_400 = arith.addi %add3A_225, %add3A_399 : i32
    %le3A_401 = arith.cmpi sle, %squeeze3A_212, %add3A_400 : i32
    %jit3A_402 = arith.constant 1 : i32
    %jit3A_403 = arith.constant 0 : i32
    %select_n3A_404 = arith.select %le3A_401, %jit3A_402, %jit3A_403 : i32
    %add3A_405 = arith.addi %add3A_393, %select_n3A_404 : i32
    %ne3A = arith.cmpi ne, %add3A_398, %add3A_405 : i32
    %ne3A_406 = arith.constant -1 : i32
    %ne3A_407 = arith.cmpi ne, %ne3A_406, %add3A_398 : i32
    %or3A = arith.ori %ne3A, %ne3A_407 : i1
    %and3A = arith.constant true
    %and3A_408 = arith.andi %and3A, %or3A : i1
    %convert_element_type3A = arith.extui %and3A_408 : i1 to i32
    %cond3A = arith.constant 0 : i32
    %cond3A_409 = arith.cmpi ne, %convert_element_type3A, %cond3A : i32
    scf.if %cond3A_409 {
      %iota3A = tpu.iota {dimensions = array<i32: 0>} : vector<16xi32>
      %add3A_424 = vector.broadcast %add3A_225 : i32 to vector<16xi32>
      %add3A_425 = arith.addi %add3A_424, %iota3A : vector<16xi32>
      %le3A_426 = arith.cmpi sle, %gather3A_16, %add3A_425 : vector<16xi32>
      %select_n3A_427 = arith.select %le3A_426, %broadcast_in_dim3A_5, %broadcast_in_dim3A_7 : vector<16xi1>, vector<16xi32>
      %add3A_428 = arith.addi %broadcast_in_dim3A_7, %select_n3A_427 : vector<16xi32>
      %le3A_429 = arith.cmpi sle, %gather3A_28, %add3A_425 : vector<16xi32>
      %select_n3A_430 = arith.select %le3A_429, %broadcast_in_dim3A_5, %broadcast_in_dim3A_7 : vector<16xi1>, vector<16xi32>
      %add3A_431 = arith.addi %add3A_428, %select_n3A_430 : vector<16xi32>
      %le3A_432 = arith.cmpi sle, %gather3A_40, %add3A_425 : vector<16xi32>
      %select_n3A_433 = arith.select %le3A_432, %broadcast_in_dim3A_5, %broadcast_in_dim3A_7 : vector<16xi1>, vector<16xi32>
      %add3A_434 = arith.addi %add3A_431, %select_n3A_433 : vector<16xi32>
      %le3A_435 = arith.cmpi sle, %gather3A_52, %add3A_425 : vector<16xi32>
      %select_n3A_436 = arith.select %le3A_435, %broadcast_in_dim3A_5, %broadcast_in_dim3A_7 : vector<16xi1>, vector<16xi32>
      %add3A_437 = arith.addi %add3A_434, %select_n3A_436 : vector<16xi32>
      %le3A_438 = arith.cmpi sle, %gather3A_64, %add3A_425 : vector<16xi32>
      %select_n3A_439 = arith.select %le3A_438, %broadcast_in_dim3A_5, %broadcast_in_dim3A_7 : vector<16xi1>, vector<16xi32>
      %add3A_440 = arith.addi %add3A_437, %select_n3A_439 : vector<16xi32>
      %le3A_441 = arith.cmpi sle, %gather3A_76, %add3A_425 : vector<16xi32>
      %select_n3A_442 = arith.select %le3A_441, %broadcast_in_dim3A_5, %broadcast_in_dim3A_7 : vector<16xi1>, vector<16xi32>
      %add3A_443 = arith.addi %add3A_440, %select_n3A_442 : vector<16xi32>
      %le3A_444 = arith.cmpi sle, %gather3A_88, %add3A_425 : vector<16xi32>
      %select_n3A_445 = arith.select %le3A_444, %broadcast_in_dim3A_5, %broadcast_in_dim3A_7 : vector<16xi1>, vector<16xi32>
      %add3A_446 = arith.addi %add3A_443, %select_n3A_445 : vector<16xi32>
      %le3A_447 = arith.cmpi sle, %gather3A_100, %add3A_425 : vector<16xi32>
      %select_n3A_448 = arith.select %le3A_447, %broadcast_in_dim3A_5, %broadcast_in_dim3A_7 : vector<16xi1>, vector<16xi32>
      %add3A_449 = arith.addi %add3A_446, %select_n3A_448 : vector<16xi32>
      %le3A_450 = arith.cmpi sle, %gather3A_112, %add3A_425 : vector<16xi32>
      %select_n3A_451 = arith.select %le3A_450, %broadcast_in_dim3A_5, %broadcast_in_dim3A_7 : vector<16xi1>, vector<16xi32>
      %add3A_452 = arith.addi %add3A_449, %select_n3A_451 : vector<16xi32>
      %le3A_453 = arith.cmpi sle, %gather3A_124, %add3A_425 : vector<16xi32>
      %select_n3A_454 = arith.select %le3A_453, %broadcast_in_dim3A_5, %broadcast_in_dim3A_7 : vector<16xi1>, vector<16xi32>
      %add3A_455 = arith.addi %add3A_452, %select_n3A_454 : vector<16xi32>
      %le3A_456 = arith.cmpi sle, %gather3A_136, %add3A_425 : vector<16xi32>
      %select_n3A_457 = arith.select %le3A_456, %broadcast_in_dim3A_5, %broadcast_in_dim3A_7 : vector<16xi1>, vector<16xi32>
      %add3A_458 = arith.addi %add3A_455, %select_n3A_457 : vector<16xi32>
      %le3A_459 = arith.cmpi sle, %gather3A_148, %add3A_425 : vector<16xi32>
      %select_n3A_460 = arith.select %le3A_459, %broadcast_in_dim3A_5, %broadcast_in_dim3A_7 : vector<16xi1>, vector<16xi32>
      %add3A_461 = arith.addi %add3A_458, %select_n3A_460 : vector<16xi32>
      %le3A_462 = arith.cmpi sle, %gather3A_160, %add3A_425 : vector<16xi32>
      %select_n3A_463 = arith.select %le3A_462, %broadcast_in_dim3A_5, %broadcast_in_dim3A_7 : vector<16xi1>, vector<16xi32>
      %add3A_464 = arith.addi %add3A_461, %select_n3A_463 : vector<16xi32>
      %le3A_465 = arith.cmpi sle, %gather3A_172, %add3A_425 : vector<16xi32>
      %select_n3A_466 = arith.select %le3A_465, %broadcast_in_dim3A_5, %broadcast_in_dim3A_7 : vector<16xi1>, vector<16xi32>
      %add3A_467 = arith.addi %add3A_464, %select_n3A_466 : vector<16xi32>
      %le3A_468 = arith.cmpi sle, %gather3A_184, %add3A_425 : vector<16xi32>
      %select_n3A_469 = arith.select %le3A_468, %broadcast_in_dim3A_5, %broadcast_in_dim3A_7 : vector<16xi1>, vector<16xi32>
      %add3A_470 = arith.addi %add3A_467, %select_n3A_469 : vector<16xi32>
      %dma_start3A_471 = arith.constant 0 : i32
      %dma_start3A_472 = arith.constant 1024 : i32
      %dma_start3A_473 = tpu.memref_slice %arg7[%dma_start3A_471, %dma_start3A_472] : memref<16x2048xf32, #tpu.memory_space<vmem>> -> memref<16x1024xf32, #tpu.memory_space<vmem>>
      %dma_start3A_474 = arith.constant 0 : i32
      %dma_start3A_475 = arith.constant 0 : i32
      %dma_start3A_476 = tpu.memref_slice %arg2[%dma_start3A_474, %dma_start3A_475] : memref<16x1024xf32, #tpu.memory_space<hbm>> -> memref<16x1024xf32, #tpu.memory_space<hbm>>
      tpu.enqueue_indirect_dma source(%dma_start3A_476 : memref<16x1024xf32, #tpu.memory_space<hbm>>) target(%dma_start3A_473 : memref<16x1024xf32, #tpu.memory_space<vmem>>) offsets(%add3A_470 : vector<16xi32>) semaphore(%arg11 : memref<!tpu.dma_semaphore, #tpu.memory_space<semaphore_mem>>)
    } else {
    }
    %eq3A = arith.cmpi eq, %add3A_398, %add3A_405 : i32
    %jit3A_410 = arith.constant -1 : i32
    %select_n3A_411 = arith.select %eq3A, %add3A_398, %jit3A_410 : i32
    %scan3A = arith.constant -1 : i32
    %scan3A_412 = arith.constant false
    %scan3A_413 = arith.constant 0 : i32
    %scan3A_414 = arith.constant 32 : i32
    %scan3A_415 = arith.addi %scan3A_413, %scan3A_414 : i32
    %scan3A_416 = arith.constant 1 : i32
    %scan3A_417:4 = scf.for %scan3A_424 = %scan3A_413 to %scan3A_415 step %scan3A_416 iter_args(%scan3A_425 = %select_n3A_411, %scan3A_426 = %scan3A, %scan3A_427 = %and3A_408, %scan3A_428 = %scan3A_412) -> (i32, i32, i1, i1)  : i32 {
      %mul3A_429 = arith.constant 2 : i32
      %mul3A_430 = arith.muli %scan3A_424, %mul3A_429 : i32
      %add3A_431 = arith.constant 0 : i32
      %add3A_432 = arith.addi %mul3A_430, %add3A_431 : i32
      %dma_wait3A_433 = arith.constant 0 : i32
      %dma_wait3A_434 = arith.constant 0 : i32
      %dma_wait3A_435 = tpu.memref_slice %arg7[%dma_wait3A_433, %dma_wait3A_434] : memref<16x2048xf32, #tpu.memory_space<vmem>> -> memref<16x1024xf32, #tpu.memory_space<vmem>>
      %dma_wait3A_436 = arith.constant 0 : i32
      %dma_wait3A_437 = arith.constant 0 : i32
      %dma_wait3A_438 = tpu.memref_slice %arg3[%dma_wait3A_436, %dma_wait3A_437] : memref<32768x1024xf32, #tpu.memory_space<hbm>> -> memref<16x1024xf32, #tpu.memory_space<hbm>>
      %dma_wait3A_439 = arith.constant 0 : i32
      %dma_wait3A_440 = arith.constant 0 : i32
      %dma_wait3A_441 = tpu.memref_slice %arg7[%dma_wait3A_439, %dma_wait3A_440] : memref<16x2048xf32, #tpu.memory_space<vmem>> -> memref<16x1024xf32, #tpu.memory_space<vmem>>
      %dma_wait3A_442 = arith.constant 0 : i32
      %dma_wait3A_443 = arith.constant 0 : i32
      %dma_wait3A_444 = tpu.memref_slice %arg3[%dma_wait3A_442, %dma_wait3A_443] : memref<32768x1024xf32, #tpu.memory_space<hbm>> -> memref<16x1024xf32, #tpu.memory_space<hbm>>
      tpu.wait_dma2 semaphore(%arg9 : memref<!tpu.dma_semaphore, #tpu.memory_space<semaphore_mem>>) src(%dma_wait3A_444 : memref<16x1024xf32, #tpu.memory_space<hbm>>) dst(%dma_wait3A_441 : memref<16x1024xf32, #tpu.memory_space<vmem>>)
      %convert_element_type3A_445 = arith.extui %scan3A_427 : i1 to i32
      %cond3A_446 = arith.constant 0 : i32
      %cond3A_447 = arith.cmpi ne, %convert_element_type3A_445, %cond3A_446 : i32
      scf.if %cond3A_447 {
        %dma_wait3A_908 = arith.constant 0 : i32
        %dma_wait3A_909 = arith.constant 1024 : i32
        %dma_wait3A_910 = tpu.memref_slice %arg7[%dma_wait3A_908, %dma_wait3A_909] : memref<16x2048xf32, #tpu.memory_space<vmem>> -> memref<16x1024xf32, #tpu.memory_space<vmem>>
        %dma_wait3A_911 = arith.constant 0 : i32
        %dma_wait3A_912 = arith.constant 0 : i32
        %dma_wait3A_913 = tpu.memref_slice %arg3[%dma_wait3A_911, %dma_wait3A_912] : memref<32768x1024xf32, #tpu.memory_space<hbm>> -> memref<16x1024xf32, #tpu.memory_space<hbm>>
        %dma_wait3A_914 = arith.constant 0 : i32
        %dma_wait3A_915 = arith.constant 1024 : i32
        %dma_wait3A_916 = tpu.memref_slice %arg7[%dma_wait3A_914, %dma_wait3A_915] : memref<16x2048xf32, #tpu.memory_space<vmem>> -> memref<16x1024xf32, #tpu.memory_space<vmem>>
        %dma_wait3A_917 = arith.constant 0 : i32
        %dma_wait3A_918 = arith.constant 0 : i32
        %dma_wait3A_919 = tpu.memref_slice %arg3[%dma_wait3A_917, %dma_wait3A_918] : memref<32768x1024xf32, #tpu.memory_space<hbm>> -> memref<16x1024xf32, #tpu.memory_space<hbm>>
        tpu.wait_dma2 semaphore(%arg11 : memref<!tpu.dma_semaphore, #tpu.memory_space<semaphore_mem>>) src(%dma_wait3A_919 : memref<16x1024xf32, #tpu.memory_space<hbm>>) dst(%dma_wait3A_916 : memref<16x1024xf32, #tpu.memory_space<vmem>>)
      } else {
      }
      %mul3A_448 = arith.constant 16 : i32
      %mul3A_449 = arith.muli %add3A_432, %mul3A_448 : i32
      %add3A_450 = arith.addi %mul3A_2, %mul3A_449 : i32
      %dma_start3A_451 = arith.constant 0 : i32
      %dma_start3A_452 = tpu.memref_slice %arg5[%add3A_450, %dma_start3A_451] : memref<32768x2048xf32, #tpu.memory_space<hbm>> -> memref<16x2048xf32, #tpu.memory_space<hbm>>
      %dma_start3A_453 = arith.constant 0 : i32
      %dma_start3A_454 = tpu.memref_slice %arg5[%add3A_450, %dma_start3A_453] : memref<32768x2048xf32, #tpu.memory_space<hbm>> -> memref<16x2048xf32, #tpu.memory_space<hbm>>
      tpu.enqueue_dma source(%arg7 : memref<16x2048xf32, #tpu.memory_space<vmem>>) target(%dma_start3A_454 : memref<16x2048xf32, #tpu.memory_space<hbm>>) target_semaphore(%arg13 : memref<!tpu.dma_semaphore, #tpu.memory_space<semaphore_mem>>)
      %ge3A = arith.constant 1 : i32
      %ge3A_455 = arith.cmpi sge, %add3A_432, %ge3A : i32
      %convert_element_type3A_456 = arith.extui %ge3A_455 : i1 to i32
      %cond3A_457 = arith.constant 0 : i32
      %cond3A_458 = arith.cmpi ne, %convert_element_type3A_456, %cond3A_457 : i32
      scf.if %cond3A_458 {
        %dma_wait3A_908 = arith.constant 0 : i32
        %dma_wait3A_909 = arith.constant 0 : i32
        %dma_wait3A_910 = tpu.memref_slice %arg5[%dma_wait3A_908, %dma_wait3A_909] : memref<32768x2048xf32, #tpu.memory_space<hbm>> -> memref<16x2048xf32, #tpu.memory_space<hbm>>
        %dma_wait3A_911 = arith.constant 0 : i32
        %dma_wait3A_912 = arith.constant 0 : i32
        %dma_wait3A_913 = tpu.memref_slice %arg5[%dma_wait3A_911, %dma_wait3A_912] : memref<32768x2048xf32, #tpu.memory_space<hbm>> -> memref<16x2048xf32, #tpu.memory_space<hbm>>
        tpu.wait_dma2 semaphore(%arg14 : memref<!tpu.dma_semaphore, #tpu.memory_space<semaphore_mem>>) src(%arg8 : memref<16x2048xf32, #tpu.memory_space<vmem>>) dst(%dma_wait3A_913 : memref<16x2048xf32, #tpu.memory_space<hbm>>)
      } else {
      }
      %add3A_459 = arith.constant 1 : i32
      %add3A_460 = arith.addi %add3A_432, %add3A_459 : i32
      %lt3A_461 = arith.constant 64 : i32
      %lt3A_462 = arith.cmpi slt, %add3A_460, %lt3A_461 : i32
      %convert_element_type3A_463 = arith.extui %lt3A_462 : i1 to i32
      %cond3A_464 = arith.constant 0 : i32
      %cond3A_465 = arith.cmpi ne, %convert_element_type3A_463, %cond3A_464 : i32
      scf.if %cond3A_465 {
        %add3A_908 = arith.constant 1 : i32
        %add3A_909 = arith.addi %add3A_432, %add3A_908 : i32
        %mul3A_910 = arith.constant 16 : i32
        %mul3A_911 = arith.muli %add3A_909, %mul3A_910 : i32
        %add3A_912 = arith.addi %mul3A_2, %mul3A_911 : i32
        %dma_start3A_913 = arith.constant 0 : i32
        %dma_start3A_914 = arith.constant 0 : i32
        %dma_start3A_915 = tpu.memref_slice %arg8[%dma_start3A_913, %dma_start3A_914] : memref<16x2048xf32, #tpu.memory_space<vmem>> -> memref<16x1024xf32, #tpu.memory_space<vmem>>
        %dma_start3A_916 = arith.constant 0 : i32
        %dma_start3A_917 = tpu.memref_slice %arg3[%add3A_912, %dma_start3A_916] : memref<32768x1024xf32, #tpu.memory_space<hbm>> -> memref<16x1024xf32, #tpu.memory_space<hbm>>
        %dma_start3A_918 = arith.constant 0 : i32
        %dma_start3A_919 = arith.constant 0 : i32
        %dma_start3A_920 = tpu.memref_slice %arg8[%dma_start3A_918, %dma_start3A_919] : memref<16x2048xf32, #tpu.memory_space<vmem>> -> memref<16x1024xf32, #tpu.memory_space<vmem>>
        %dma_start3A_921 = arith.constant 0 : i32
        %dma_start3A_922 = tpu.memref_slice %arg3[%add3A_912, %dma_start3A_921] : memref<32768x1024xf32, #tpu.memory_space<hbm>> -> memref<16x1024xf32, #tpu.memory_space<hbm>>
        tpu.enqueue_dma source(%dma_start3A_922 : memref<16x1024xf32, #tpu.memory_space<hbm>>) target(%dma_start3A_920 : memref<16x1024xf32, #tpu.memory_space<vmem>>) target_semaphore(%arg10 : memref<!tpu.dma_semaphore, #tpu.memory_space<semaphore_mem>>)
      } else {
      }
      %add3A_466 = arith.constant 1 : i32
      %add3A_467 = arith.addi %add3A_432, %add3A_466 : i32
      %lt3A_468 = arith.constant 64 : i32
      %lt3A_469 = arith.cmpi slt, %add3A_467, %lt3A_468 : i32
      %add3A_470 = arith.constant 1 : i32
      %add3A_471 = arith.addi %add3A_432, %add3A_470 : i32
      %mul3A_472 = arith.constant 16 : i32
      %mul3A_473 = arith.muli %add3A_471, %mul3A_472 : i32
      %add3A_474 = arith.addi %mul3A_2, %mul3A_473 : i32
      %le3A_475 = arith.cmpi sle, %squeeze3A, %add3A_474 : i32
      %jit3A_476 = arith.constant 1 : i32
      %jit3A_477 = arith.constant 0 : i32
      %select_n3A_478 = arith.select %le3A_475, %jit3A_476, %jit3A_477 : i32
      %add3A_479 = arith.constant 0 : i32
      %add3A_480 = arith.addi %add3A_479, %select_n3A_478 : i32
      %add3A_481 = arith.constant 15 : i32
      %add3A_482 = arith.addi %add3A_474, %add3A_481 : i32
      %le3A_483 = arith.cmpi sle, %squeeze3A, %add3A_482 : i32
      %jit3A_484 = arith.constant 1 : i32
      %jit3A_485 = arith.constant 0 : i32
      %select_n3A_486 = arith.select %le3A_483, %jit3A_484, %jit3A_485 : i32
      %add3A_487 = arith.constant 0 : i32
      %add3A_488 = arith.addi %add3A_487, %select_n3A_486 : i32
      %le3A_489 = arith.cmpi sle, %squeeze3A_186, %add3A_474 : i32
      %jit3A_490 = arith.constant 1 : i32
      %jit3A_491 = arith.constant 0 : i32
      %select_n3A_492 = arith.select %le3A_489, %jit3A_490, %jit3A_491 : i32
      %add3A_493 = arith.addi %add3A_480, %select_n3A_492 : i32
      %add3A_494 = arith.constant 15 : i32
      %add3A_495 = arith.addi %add3A_474, %add3A_494 : i32
      %le3A_496 = arith.cmpi sle, %squeeze3A_186, %add3A_495 : i32
      %jit3A_497 = arith.constant 1 : i32
      %jit3A_498 = arith.constant 0 : i32
      %select_n3A_499 = arith.select %le3A_496, %jit3A_497, %jit3A_498 : i32
      %add3A_500 = arith.addi %add3A_488, %select_n3A_499 : i32
      %le3A_501 = arith.cmpi sle, %squeeze3A_188, %add3A_474 : i32
      %jit3A_502 = arith.constant 1 : i32
      %jit3A_503 = arith.constant 0 : i32
      %select_n3A_504 = arith.select %le3A_501, %jit3A_502, %jit3A_503 : i32
      %add3A_505 = arith.addi %add3A_493, %select_n3A_504 : i32
      %add3A_506 = arith.constant 15 : i32
      %add3A_507 = arith.addi %add3A_474, %add3A_506 : i32
      %le3A_508 = arith.cmpi sle, %squeeze3A_188, %add3A_507 : i32
      %jit3A_509 = arith.constant 1 : i32
      %jit3A_510 = arith.constant 0 : i32
      %select_n3A_511 = arith.select %le3A_508, %jit3A_509, %jit3A_510 : i32
      %add3A_512 = arith.addi %add3A_500, %select_n3A_511 : i32
      %le3A_513 = arith.cmpi sle, %squeeze3A_190, %add3A_474 : i32
      %jit3A_514 = arith.constant 1 : i32
      %jit3A_515 = arith.constant 0 : i32
      %select_n3A_516 = arith.select %le3A_513, %jit3A_514, %jit3A_515 : i32
      %add3A_517 = arith.addi %add3A_505, %select_n3A_516 : i32
      %add3A_518 = arith.constant 15 : i32
      %add3A_519 = arith.addi %add3A_474, %add3A_518 : i32
      %le3A_520 = arith.cmpi sle, %squeeze3A_190, %add3A_519 : i32
      %jit3A_521 = arith.constant 1 : i32
      %jit3A_522 = arith.constant 0 : i32
      %select_n3A_523 = arith.select %le3A_520, %jit3A_521, %jit3A_522 : i32
      %add3A_524 = arith.addi %add3A_512, %select_n3A_523 : i32
      %le3A_525 = arith.cmpi sle, %squeeze3A_192, %add3A_474 : i32
      %jit3A_526 = arith.constant 1 : i32
      %jit3A_527 = arith.constant 0 : i32
      %select_n3A_528 = arith.select %le3A_525, %jit3A_526, %jit3A_527 : i32
      %add3A_529 = arith.addi %add3A_517, %select_n3A_528 : i32
      %add3A_530 = arith.constant 15 : i32
      %add3A_531 = arith.addi %add3A_474, %add3A_530 : i32
      %le3A_532 = arith.cmpi sle, %squeeze3A_192, %add3A_531 : i32
      %jit3A_533 = arith.constant 1 : i32
      %jit3A_534 = arith.constant 0 : i32
      %select_n3A_535 = arith.select %le3A_532, %jit3A_533, %jit3A_534 : i32
      %add3A_536 = arith.addi %add3A_524, %select_n3A_535 : i32
      %le3A_537 = arith.cmpi sle, %squeeze3A_194, %add3A_474 : i32
      %jit3A_538 = arith.constant 1 : i32
      %jit3A_539 = arith.constant 0 : i32
      %select_n3A_540 = arith.select %le3A_537, %jit3A_538, %jit3A_539 : i32
      %add3A_541 = arith.addi %add3A_529, %select_n3A_540 : i32
      %add3A_542 = arith.constant 15 : i32
      %add3A_543 = arith.addi %add3A_474, %add3A_542 : i32
      %le3A_544 = arith.cmpi sle, %squeeze3A_194, %add3A_543 : i32
      %jit3A_545 = arith.constant 1 : i32
      %jit3A_546 = arith.constant 0 : i32
      %select_n3A_547 = arith.select %le3A_544, %jit3A_545, %jit3A_546 : i32
      %add3A_548 = arith.addi %add3A_536, %select_n3A_547 : i32
      %le3A_549 = arith.cmpi sle, %squeeze3A_196, %add3A_474 : i32
      %jit3A_550 = arith.constant 1 : i32
      %jit3A_551 = arith.constant 0 : i32
      %select_n3A_552 = arith.select %le3A_549, %jit3A_550, %jit3A_551 : i32
      %add3A_553 = arith.addi %add3A_541, %select_n3A_552 : i32
      %add3A_554 = arith.constant 15 : i32
      %add3A_555 = arith.addi %add3A_474, %add3A_554 : i32
      %le3A_556 = arith.cmpi sle, %squeeze3A_196, %add3A_555 : i32
      %jit3A_557 = arith.constant 1 : i32
      %jit3A_558 = arith.constant 0 : i32
      %select_n3A_559 = arith.select %le3A_556, %jit3A_557, %jit3A_558 : i32
      %add3A_560 = arith.addi %add3A_548, %select_n3A_559 : i32
      %le3A_561 = arith.cmpi sle, %squeeze3A_198, %add3A_474 : i32
      %jit3A_562 = arith.constant 1 : i32
      %jit3A_563 = arith.constant 0 : i32
      %select_n3A_564 = arith.select %le3A_561, %jit3A_562, %jit3A_563 : i32
      %add3A_565 = arith.addi %add3A_553, %select_n3A_564 : i32
      %add3A_566 = arith.constant 15 : i32
      %add3A_567 = arith.addi %add3A_474, %add3A_566 : i32
      %le3A_568 = arith.cmpi sle, %squeeze3A_198, %add3A_567 : i32
      %jit3A_569 = arith.constant 1 : i32
      %jit3A_570 = arith.constant 0 : i32
      %select_n3A_571 = arith.select %le3A_568, %jit3A_569, %jit3A_570 : i32
      %add3A_572 = arith.addi %add3A_560, %select_n3A_571 : i32
      %le3A_573 = arith.cmpi sle, %squeeze3A_200, %add3A_474 : i32
      %jit3A_574 = arith.constant 1 : i32
      %jit3A_575 = arith.constant 0 : i32
      %select_n3A_576 = arith.select %le3A_573, %jit3A_574, %jit3A_575 : i32
      %add3A_577 = arith.addi %add3A_565, %select_n3A_576 : i32
      %add3A_578 = arith.constant 15 : i32
      %add3A_579 = arith.addi %add3A_474, %add3A_578 : i32
      %le3A_580 = arith.cmpi sle, %squeeze3A_200, %add3A_579 : i32
      %jit3A_581 = arith.constant 1 : i32
      %jit3A_582 = arith.constant 0 : i32
      %select_n3A_583 = arith.select %le3A_580, %jit3A_581, %jit3A_582 : i32
      %add3A_584 = arith.addi %add3A_572, %select_n3A_583 : i32
      %le3A_585 = arith.cmpi sle, %squeeze3A_202, %add3A_474 : i32
      %jit3A_586 = arith.constant 1 : i32
      %jit3A_587 = arith.constant 0 : i32
      %select_n3A_588 = arith.select %le3A_585, %jit3A_586, %jit3A_587 : i32
      %add3A_589 = arith.addi %add3A_577, %select_n3A_588 : i32
      %add3A_590 = arith.constant 15 : i32
      %add3A_591 = arith.addi %add3A_474, %add3A_590 : i32
      %le3A_592 = arith.cmpi sle, %squeeze3A_202, %add3A_591 : i32
      %jit3A_593 = arith.constant 1 : i32
      %jit3A_594 = arith.constant 0 : i32
      %select_n3A_595 = arith.select %le3A_592, %jit3A_593, %jit3A_594 : i32
      %add3A_596 = arith.addi %add3A_584, %select_n3A_595 : i32
      %le3A_597 = arith.cmpi sle, %squeeze3A_204, %add3A_474 : i32
      %jit3A_598 = arith.constant 1 : i32
      %jit3A_599 = arith.constant 0 : i32
      %select_n3A_600 = arith.select %le3A_597, %jit3A_598, %jit3A_599 : i32
      %add3A_601 = arith.addi %add3A_589, %select_n3A_600 : i32
      %add3A_602 = arith.constant 15 : i32
      %add3A_603 = arith.addi %add3A_474, %add3A_602 : i32
      %le3A_604 = arith.cmpi sle, %squeeze3A_204, %add3A_603 : i32
      %jit3A_605 = arith.constant 1 : i32
      %jit3A_606 = arith.constant 0 : i32
      %select_n3A_607 = arith.select %le3A_604, %jit3A_605, %jit3A_606 : i32
      %add3A_608 = arith.addi %add3A_596, %select_n3A_607 : i32
      %le3A_609 = arith.cmpi sle, %squeeze3A_206, %add3A_474 : i32
      %jit3A_610 = arith.constant 1 : i32
      %jit3A_611 = arith.constant 0 : i32
      %select_n3A_612 = arith.select %le3A_609, %jit3A_610, %jit3A_611 : i32
      %add3A_613 = arith.addi %add3A_601, %select_n3A_612 : i32
      %add3A_614 = arith.constant 15 : i32
      %add3A_615 = arith.addi %add3A_474, %add3A_614 : i32
      %le3A_616 = arith.cmpi sle, %squeeze3A_206, %add3A_615 : i32
      %jit3A_617 = arith.constant 1 : i32
      %jit3A_618 = arith.constant 0 : i32
      %select_n3A_619 = arith.select %le3A_616, %jit3A_617, %jit3A_618 : i32
      %add3A_620 = arith.addi %add3A_608, %select_n3A_619 : i32
      %le3A_621 = arith.cmpi sle, %squeeze3A_208, %add3A_474 : i32
      %jit3A_622 = arith.constant 1 : i32
      %jit3A_623 = arith.constant 0 : i32
      %select_n3A_624 = arith.select %le3A_621, %jit3A_622, %jit3A_623 : i32
      %add3A_625 = arith.addi %add3A_613, %select_n3A_624 : i32
      %add3A_626 = arith.constant 15 : i32
      %add3A_627 = arith.addi %add3A_474, %add3A_626 : i32
      %le3A_628 = arith.cmpi sle, %squeeze3A_208, %add3A_627 : i32
      %jit3A_629 = arith.constant 1 : i32
      %jit3A_630 = arith.constant 0 : i32
      %select_n3A_631 = arith.select %le3A_628, %jit3A_629, %jit3A_630 : i32
      %add3A_632 = arith.addi %add3A_620, %select_n3A_631 : i32
      %le3A_633 = arith.cmpi sle, %squeeze3A_210, %add3A_474 : i32
      %jit3A_634 = arith.constant 1 : i32
      %jit3A_635 = arith.constant 0 : i32
      %select_n3A_636 = arith.select %le3A_633, %jit3A_634, %jit3A_635 : i32
      %add3A_637 = arith.addi %add3A_625, %select_n3A_636 : i32
      %add3A_638 = arith.constant 15 : i32
      %add3A_639 = arith.addi %add3A_474, %add3A_638 : i32
      %le3A_640 = arith.cmpi sle, %squeeze3A_210, %add3A_639 : i32
      %jit3A_641 = arith.constant 1 : i32
      %jit3A_642 = arith.constant 0 : i32
      %select_n3A_643 = arith.select %le3A_640, %jit3A_641, %jit3A_642 : i32
      %add3A_644 = arith.addi %add3A_632, %select_n3A_643 : i32
      %le3A_645 = arith.cmpi sle, %squeeze3A_212, %add3A_474 : i32
      %jit3A_646 = arith.constant 1 : i32
      %jit3A_647 = arith.constant 0 : i32
      %select_n3A_648 = arith.select %le3A_645, %jit3A_646, %jit3A_647 : i32
      %add3A_649 = arith.addi %add3A_637, %select_n3A_648 : i32
      %add3A_650 = arith.constant 15 : i32
      %add3A_651 = arith.addi %add3A_474, %add3A_650 : i32
      %le3A_652 = arith.cmpi sle, %squeeze3A_212, %add3A_651 : i32
      %jit3A_653 = arith.constant 1 : i32
      %jit3A_654 = arith.constant 0 : i32
      %select_n3A_655 = arith.select %le3A_652, %jit3A_653, %jit3A_654 : i32
      %add3A_656 = arith.addi %add3A_644, %select_n3A_655 : i32
      %ne3A_657 = arith.cmpi ne, %add3A_649, %add3A_656 : i32
      %ne3A_658 = arith.cmpi ne, %scan3A_426, %add3A_649 : i32
      %or3A_659 = arith.ori %ne3A_657, %ne3A_658 : i1
      %and3A_660 = arith.andi %lt3A_469, %or3A_659 : i1
      %convert_element_type3A_661 = arith.extui %and3A_660 : i1 to i32
      %cond3A_662 = arith.constant 0 : i32
      %cond3A_663 = arith.cmpi ne, %convert_element_type3A_661, %cond3A_662 : i32
      scf.if %cond3A_663 {
        %iota3A = tpu.iota {dimensions = array<i32: 0>} : vector<16xi32>
        %add3A_908 = vector.broadcast %add3A_474 : i32 to vector<16xi32>
        %add3A_909 = arith.addi %add3A_908, %iota3A : vector<16xi32>
        %le3A_910 = arith.cmpi sle, %gather3A_16, %add3A_909 : vector<16xi32>
        %select_n3A_911 = arith.select %le3A_910, %broadcast_in_dim3A_5, %broadcast_in_dim3A_7 : vector<16xi1>, vector<16xi32>
        %add3A_912 = arith.addi %broadcast_in_dim3A_7, %select_n3A_911 : vector<16xi32>
        %le3A_913 = arith.cmpi sle, %gather3A_28, %add3A_909 : vector<16xi32>
        %select_n3A_914 = arith.select %le3A_913, %broadcast_in_dim3A_5, %broadcast_in_dim3A_7 : vector<16xi1>, vector<16xi32>
        %add3A_915 = arith.addi %add3A_912, %select_n3A_914 : vector<16xi32>
        %le3A_916 = arith.cmpi sle, %gather3A_40, %add3A_909 : vector<16xi32>
        %select_n3A_917 = arith.select %le3A_916, %broadcast_in_dim3A_5, %broadcast_in_dim3A_7 : vector<16xi1>, vector<16xi32>
        %add3A_918 = arith.addi %add3A_915, %select_n3A_917 : vector<16xi32>
        %le3A_919 = arith.cmpi sle, %gather3A_52, %add3A_909 : vector<16xi32>
        %select_n3A_920 = arith.select %le3A_919, %broadcast_in_dim3A_5, %broadcast_in_dim3A_7 : vector<16xi1>, vector<16xi32>
        %add3A_921 = arith.addi %add3A_918, %select_n3A_920 : vector<16xi32>
        %le3A_922 = arith.cmpi sle, %gather3A_64, %add3A_909 : vector<16xi32>
        %select_n3A_923 = arith.select %le3A_922, %broadcast_in_dim3A_5, %broadcast_in_dim3A_7 : vector<16xi1>, vector<16xi32>
        %add3A_924 = arith.addi %add3A_921, %select_n3A_923 : vector<16xi32>
        %le3A_925 = arith.cmpi sle, %gather3A_76, %add3A_909 : vector<16xi32>
        %select_n3A_926 = arith.select %le3A_925, %broadcast_in_dim3A_5, %broadcast_in_dim3A_7 : vector<16xi1>, vector<16xi32>
        %add3A_927 = arith.addi %add3A_924, %select_n3A_926 : vector<16xi32>
        %le3A_928 = arith.cmpi sle, %gather3A_88, %add3A_909 : vector<16xi32>
        %select_n3A_929 = arith.select %le3A_928, %broadcast_in_dim3A_5, %broadcast_in_dim3A_7 : vector<16xi1>, vector<16xi32>
        %add3A_930 = arith.addi %add3A_927, %select_n3A_929 : vector<16xi32>
        %le3A_931 = arith.cmpi sle, %gather3A_100, %add3A_909 : vector<16xi32>
        %select_n3A_932 = arith.select %le3A_931, %broadcast_in_dim3A_5, %broadcast_in_dim3A_7 : vector<16xi1>, vector<16xi32>
        %add3A_933 = arith.addi %add3A_930, %select_n3A_932 : vector<16xi32>
        %le3A_934 = arith.cmpi sle, %gather3A_112, %add3A_909 : vector<16xi32>
        %select_n3A_935 = arith.select %le3A_934, %broadcast_in_dim3A_5, %broadcast_in_dim3A_7 : vector<16xi1>, vector<16xi32>
        %add3A_936 = arith.addi %add3A_933, %select_n3A_935 : vector<16xi32>
        %le3A_937 = arith.cmpi sle, %gather3A_124, %add3A_909 : vector<16xi32>
        %select_n3A_938 = arith.select %le3A_937, %broadcast_in_dim3A_5, %broadcast_in_dim3A_7 : vector<16xi1>, vector<16xi32>
        %add3A_939 = arith.addi %add3A_936, %select_n3A_938 : vector<16xi32>
        %le3A_940 = arith.cmpi sle, %gather3A_136, %add3A_909 : vector<16xi32>
        %select_n3A_941 = arith.select %le3A_940, %broadcast_in_dim3A_5, %broadcast_in_dim3A_7 : vector<16xi1>, vector<16xi32>
        %add3A_942 = arith.addi %add3A_939, %select_n3A_941 : vector<16xi32>
        %le3A_943 = arith.cmpi sle, %gather3A_148, %add3A_909 : vector<16xi32>
        %select_n3A_944 = arith.select %le3A_943, %broadcast_in_dim3A_5, %broadcast_in_dim3A_7 : vector<16xi1>, vector<16xi32>
        %add3A_945 = arith.addi %add3A_942, %select_n3A_944 : vector<16xi32>
        %le3A_946 = arith.cmpi sle, %gather3A_160, %add3A_909 : vector<16xi32>
        %select_n3A_947 = arith.select %le3A_946, %broadcast_in_dim3A_5, %broadcast_in_dim3A_7 : vector<16xi1>, vector<16xi32>
        %add3A_948 = arith.addi %add3A_945, %select_n3A_947 : vector<16xi32>
        %le3A_949 = arith.cmpi sle, %gather3A_172, %add3A_909 : vector<16xi32>
        %select_n3A_950 = arith.select %le3A_949, %broadcast_in_dim3A_5, %broadcast_in_dim3A_7 : vector<16xi1>, vector<16xi32>
        %add3A_951 = arith.addi %add3A_948, %select_n3A_950 : vector<16xi32>
        %le3A_952 = arith.cmpi sle, %gather3A_184, %add3A_909 : vector<16xi32>
        %select_n3A_953 = arith.select %le3A_952, %broadcast_in_dim3A_5, %broadcast_in_dim3A_7 : vector<16xi1>, vector<16xi32>
        %add3A_954 = arith.addi %add3A_951, %select_n3A_953 : vector<16xi32>
        %dma_start3A_955 = arith.constant 0 : i32
        %dma_start3A_956 = arith.constant 1024 : i32
        %dma_start3A_957 = tpu.memref_slice %arg8[%dma_start3A_955, %dma_start3A_956] : memref<16x2048xf32, #tpu.memory_space<vmem>> -> memref<16x1024xf32, #tpu.memory_space<vmem>>
        %dma_start3A_958 = arith.constant 0 : i32
        %dma_start3A_959 = arith.constant 0 : i32
        %dma_start3A_960 = tpu.memref_slice %arg2[%dma_start3A_958, %dma_start3A_959] : memref<16x1024xf32, #tpu.memory_space<hbm>> -> memref<16x1024xf32, #tpu.memory_space<hbm>>
        tpu.enqueue_indirect_dma source(%dma_start3A_960 : memref<16x1024xf32, #tpu.memory_space<hbm>>) target(%dma_start3A_957 : memref<16x1024xf32, #tpu.memory_space<vmem>>) offsets(%add3A_954 : vector<16xi32>) semaphore(%arg12 : memref<!tpu.dma_semaphore, #tpu.memory_space<semaphore_mem>>)
      } else {
      }
      %eq3A_664 = arith.cmpi eq, %add3A_649, %add3A_656 : i32
      %jit3A_665 = arith.constant -1 : i32
      %select_n3A_666 = arith.select %eq3A_664, %add3A_649, %jit3A_665 : i32
      %select_n3A_667 = arith.select %lt3A_469, %select_n3A_666, %scan3A_426 : i32
      %mul3A_668 = arith.constant 2 : i32
      %mul3A_669 = arith.muli %scan3A_424, %mul3A_668 : i32
      %add3A_670 = arith.constant 1 : i32
      %add3A_671 = arith.addi %mul3A_669, %add3A_670 : i32
      %dma_wait3A_672 = arith.constant 0 : i32
      %dma_wait3A_673 = arith.constant 0 : i32
      %dma_wait3A_674 = tpu.memref_slice %arg8[%dma_wait3A_672, %dma_wait3A_673] : memref<16x2048xf32, #tpu.memory_space<vmem>> -> memref<16x1024xf32, #tpu.memory_space<vmem>>
      %dma_wait3A_675 = arith.constant 0 : i32
      %dma_wait3A_676 = arith.constant 0 : i32
      %dma_wait3A_677 = tpu.memref_slice %arg3[%dma_wait3A_675, %dma_wait3A_676] : memref<32768x1024xf32, #tpu.memory_space<hbm>> -> memref<16x1024xf32, #tpu.memory_space<hbm>>
      %dma_wait3A_678 = arith.constant 0 : i32
      %dma_wait3A_679 = arith.constant 0 : i32
      %dma_wait3A_680 = tpu.memref_slice %arg8[%dma_wait3A_678, %dma_wait3A_679] : memref<16x2048xf32, #tpu.memory_space<vmem>> -> memref<16x1024xf32, #tpu.memory_space<vmem>>
      %dma_wait3A_681 = arith.constant 0 : i32
      %dma_wait3A_682 = arith.constant 0 : i32
      %dma_wait3A_683 = tpu.memref_slice %arg3[%dma_wait3A_681, %dma_wait3A_682] : memref<32768x1024xf32, #tpu.memory_space<hbm>> -> memref<16x1024xf32, #tpu.memory_space<hbm>>
      tpu.wait_dma2 semaphore(%arg10 : memref<!tpu.dma_semaphore, #tpu.memory_space<semaphore_mem>>) src(%dma_wait3A_683 : memref<16x1024xf32, #tpu.memory_space<hbm>>) dst(%dma_wait3A_680 : memref<16x1024xf32, #tpu.memory_space<vmem>>)
      %convert_element_type3A_684 = arith.extui %and3A_660 : i1 to i32
      %cond3A_685 = arith.constant 0 : i32
      %cond3A_686 = arith.cmpi ne, %convert_element_type3A_684, %cond3A_685 : i32
      scf.if %cond3A_686 {
        %dma_wait3A_908 = arith.constant 0 : i32
        %dma_wait3A_909 = arith.constant 1024 : i32
        %dma_wait3A_910 = tpu.memref_slice %arg8[%dma_wait3A_908, %dma_wait3A_909] : memref<16x2048xf32, #tpu.memory_space<vmem>> -> memref<16x1024xf32, #tpu.memory_space<vmem>>
        %dma_wait3A_911 = arith.constant 0 : i32
        %dma_wait3A_912 = arith.constant 0 : i32
        %dma_wait3A_913 = tpu.memref_slice %arg3[%dma_wait3A_911, %dma_wait3A_912] : memref<32768x1024xf32, #tpu.memory_space<hbm>> -> memref<16x1024xf32, #tpu.memory_space<hbm>>
        %dma_wait3A_914 = arith.constant 0 : i32
        %dma_wait3A_915 = arith.constant 1024 : i32
        %dma_wait3A_916 = tpu.memref_slice %arg8[%dma_wait3A_914, %dma_wait3A_915] : memref<16x2048xf32, #tpu.memory_space<vmem>> -> memref<16x1024xf32, #tpu.memory_space<vmem>>
        %dma_wait3A_917 = arith.constant 0 : i32
        %dma_wait3A_918 = arith.constant 0 : i32
        %dma_wait3A_919 = tpu.memref_slice %arg3[%dma_wait3A_917, %dma_wait3A_918] : memref<32768x1024xf32, #tpu.memory_space<hbm>> -> memref<16x1024xf32, #tpu.memory_space<hbm>>
        tpu.wait_dma2 semaphore(%arg12 : memref<!tpu.dma_semaphore, #tpu.memory_space<semaphore_mem>>) src(%dma_wait3A_919 : memref<16x1024xf32, #tpu.memory_space<hbm>>) dst(%dma_wait3A_916 : memref<16x1024xf32, #tpu.memory_space<vmem>>)
      } else {
      }
      %mul3A_687 = arith.constant 16 : i32
      %mul3A_688 = arith.muli %add3A_671, %mul3A_687 : i32
      %add3A_689 = arith.addi %mul3A_2, %mul3A_688 : i32
      %dma_start3A_690 = arith.constant 0 : i32
      %dma_start3A_691 = tpu.memref_slice %arg5[%add3A_689, %dma_start3A_690] : memref<32768x2048xf32, #tpu.memory_space<hbm>> -> memref<16x2048xf32, #tpu.memory_space<hbm>>
      %dma_start3A_692 = arith.constant 0 : i32
      %dma_start3A_693 = tpu.memref_slice %arg5[%add3A_689, %dma_start3A_692] : memref<32768x2048xf32, #tpu.memory_space<hbm>> -> memref<16x2048xf32, #tpu.memory_space<hbm>>
      tpu.enqueue_dma source(%arg8 : memref<16x2048xf32, #tpu.memory_space<vmem>>) target(%dma_start3A_693 : memref<16x2048xf32, #tpu.memory_space<hbm>>) target_semaphore(%arg14 : memref<!tpu.dma_semaphore, #tpu.memory_space<semaphore_mem>>)
      %ge3A_694 = arith.constant 1 : i32
      %ge3A_695 = arith.cmpi sge, %add3A_671, %ge3A_694 : i32
      %convert_element_type3A_696 = arith.extui %ge3A_695 : i1 to i32
      %cond3A_697 = arith.constant 0 : i32
      %cond3A_698 = arith.cmpi ne, %convert_element_type3A_696, %cond3A_697 : i32
      scf.if %cond3A_698 {
        %dma_wait3A_908 = arith.constant 0 : i32
        %dma_wait3A_909 = arith.constant 0 : i32
        %dma_wait3A_910 = tpu.memref_slice %arg5[%dma_wait3A_908, %dma_wait3A_909] : memref<32768x2048xf32, #tpu.memory_space<hbm>> -> memref<16x2048xf32, #tpu.memory_space<hbm>>
        %dma_wait3A_911 = arith.constant 0 : i32
        %dma_wait3A_912 = arith.constant 0 : i32
        %dma_wait3A_913 = tpu.memref_slice %arg5[%dma_wait3A_911, %dma_wait3A_912] : memref<32768x2048xf32, #tpu.memory_space<hbm>> -> memref<16x2048xf32, #tpu.memory_space<hbm>>
        tpu.wait_dma2 semaphore(%arg13 : memref<!tpu.dma_semaphore, #tpu.memory_space<semaphore_mem>>) src(%arg7 : memref<16x2048xf32, #tpu.memory_space<vmem>>) dst(%dma_wait3A_913 : memref<16x2048xf32, #tpu.memory_space<hbm>>)
      } else {
      }
      %add3A_699 = arith.constant 1 : i32
      %add3A_700 = arith.addi %add3A_671, %add3A_699 : i32
      %lt3A_701 = arith.constant 64 : i32
      %lt3A_702 = arith.cmpi slt, %add3A_700, %lt3A_701 : i32
      %convert_element_type3A_703 = arith.extui %lt3A_702 : i1 to i32
      %cond3A_704 = arith.constant 0 : i32
      %cond3A_705 = arith.cmpi ne, %convert_element_type3A_703, %cond3A_704 : i32
      scf.if %cond3A_705 {
        %add3A_908 = arith.constant 1 : i32
        %add3A_909 = arith.addi %add3A_671, %add3A_908 : i32
        %mul3A_910 = arith.constant 16 : i32
        %mul3A_911 = arith.muli %add3A_909, %mul3A_910 : i32
        %add3A_912 = arith.addi %mul3A_2, %mul3A_911 : i32
        %dma_start3A_913 = arith.constant 0 : i32
        %dma_start3A_914 = arith.constant 0 : i32
        %dma_start3A_915 = tpu.memref_slice %arg7[%dma_start3A_913, %dma_start3A_914] : memref<16x2048xf32, #tpu.memory_space<vmem>> -> memref<16x1024xf32, #tpu.memory_space<vmem>>
        %dma_start3A_916 = arith.constant 0 : i32
        %dma_start3A_917 = tpu.memref_slice %arg3[%add3A_912, %dma_start3A_916] : memref<32768x1024xf32, #tpu.memory_space<hbm>> -> memref<16x1024xf32, #tpu.memory_space<hbm>>
        %dma_start3A_918 = arith.constant 0 : i32
        %dma_start3A_919 = arith.constant 0 : i32
        %dma_start3A_920 = tpu.memref_slice %arg7[%dma_start3A_918, %dma_start3A_919] : memref<16x2048xf32, #tpu.memory_space<vmem>> -> memref<16x1024xf32, #tpu.memory_space<vmem>>
        %dma_start3A_921 = arith.constant 0 : i32
        %dma_start3A_922 = tpu.memref_slice %arg3[%add3A_912, %dma_start3A_921] : memref<32768x1024xf32, #tpu.memory_space<hbm>> -> memref<16x1024xf32, #tpu.memory_space<hbm>>
        tpu.enqueue_dma source(%dma_start3A_922 : memref<16x1024xf32, #tpu.memory_space<hbm>>) target(%dma_start3A_920 : memref<16x1024xf32, #tpu.memory_space<vmem>>) target_semaphore(%arg9 : memref<!tpu.dma_semaphore, #tpu.memory_space<semaphore_mem>>)
      } else {
      }
      %add3A_706 = arith.constant 1 : i32
      %add3A_707 = arith.addi %add3A_671, %add3A_706 : i32
      %lt3A_708 = arith.constant 64 : i32
      %lt3A_709 = arith.cmpi slt, %add3A_707, %lt3A_708 : i32
      %add3A_710 = arith.constant 1 : i32
      %add3A_711 = arith.addi %add3A_671, %add3A_710 : i32
      %mul3A_712 = arith.constant 16 : i32
      %mul3A_713 = arith.muli %add3A_711, %mul3A_712 : i32
      %add3A_714 = arith.addi %mul3A_2, %mul3A_713 : i32
      %le3A_715 = arith.cmpi sle, %squeeze3A, %add3A_714 : i32
      %jit3A_716 = arith.constant 1 : i32
      %jit3A_717 = arith.constant 0 : i32
      %select_n3A_718 = arith.select %le3A_715, %jit3A_716, %jit3A_717 : i32
      %add3A_719 = arith.constant 0 : i32
      %add3A_720 = arith.addi %add3A_719, %select_n3A_718 : i32
      %add3A_721 = arith.constant 15 : i32
      %add3A_722 = arith.addi %add3A_714, %add3A_721 : i32
      %le3A_723 = arith.cmpi sle, %squeeze3A, %add3A_722 : i32
      %jit3A_724 = arith.constant 1 : i32
      %jit3A_725 = arith.constant 0 : i32
      %select_n3A_726 = arith.select %le3A_723, %jit3A_724, %jit3A_725 : i32
      %add3A_727 = arith.constant 0 : i32
      %add3A_728 = arith.addi %add3A_727, %select_n3A_726 : i32
      %le3A_729 = arith.cmpi sle, %squeeze3A_186, %add3A_714 : i32
      %jit3A_730 = arith.constant 1 : i32
      %jit3A_731 = arith.constant 0 : i32
      %select_n3A_732 = arith.select %le3A_729, %jit3A_730, %jit3A_731 : i32
      %add3A_733 = arith.addi %add3A_720, %select_n3A_732 : i32
      %add3A_734 = arith.constant 15 : i32
      %add3A_735 = arith.addi %add3A_714, %add3A_734 : i32
      %le3A_736 = arith.cmpi sle, %squeeze3A_186, %add3A_735 : i32
      %jit3A_737 = arith.constant 1 : i32
      %jit3A_738 = arith.constant 0 : i32
      %select_n3A_739 = arith.select %le3A_736, %jit3A_737, %jit3A_738 : i32
      %add3A_740 = arith.addi %add3A_728, %select_n3A_739 : i32
      %le3A_741 = arith.cmpi sle, %squeeze3A_188, %add3A_714 : i32
      %jit3A_742 = arith.constant 1 : i32
      %jit3A_743 = arith.constant 0 : i32
      %select_n3A_744 = arith.select %le3A_741, %jit3A_742, %jit3A_743 : i32
      %add3A_745 = arith.addi %add3A_733, %select_n3A_744 : i32
      %add3A_746 = arith.constant 15 : i32
      %add3A_747 = arith.addi %add3A_714, %add3A_746 : i32
      %le3A_748 = arith.cmpi sle, %squeeze3A_188, %add3A_747 : i32
      %jit3A_749 = arith.constant 1 : i32
      %jit3A_750 = arith.constant 0 : i32
      %select_n3A_751 = arith.select %le3A_748, %jit3A_749, %jit3A_750 : i32
      %add3A_752 = arith.addi %add3A_740, %select_n3A_751 : i32
      %le3A_753 = arith.cmpi sle, %squeeze3A_190, %add3A_714 : i32
      %jit3A_754 = arith.constant 1 : i32
      %jit3A_755 = arith.constant 0 : i32
      %select_n3A_756 = arith.select %le3A_753, %jit3A_754, %jit3A_755 : i32
      %add3A_757 = arith.addi %add3A_745, %select_n3A_756 : i32
      %add3A_758 = arith.constant 15 : i32
      %add3A_759 = arith.addi %add3A_714, %add3A_758 : i32
      %le3A_760 = arith.cmpi sle, %squeeze3A_190, %add3A_759 : i32
      %jit3A_761 = arith.constant 1 : i32
      %jit3A_762 = arith.constant 0 : i32
      %select_n3A_763 = arith.select %le3A_760, %jit3A_761, %jit3A_762 : i32
      %add3A_764 = arith.addi %add3A_752, %select_n3A_763 : i32
      %le3A_765 = arith.cmpi sle, %squeeze3A_192, %add3A_714 : i32
      %jit3A_766 = arith.constant 1 : i32
      %jit3A_767 = arith.constant 0 : i32
      %select_n3A_768 = arith.select %le3A_765, %jit3A_766, %jit3A_767 : i32
      %add3A_769 = arith.addi %add3A_757, %select_n3A_768 : i32
      %add3A_770 = arith.constant 15 : i32
      %add3A_771 = arith.addi %add3A_714, %add3A_770 : i32
      %le3A_772 = arith.cmpi sle, %squeeze3A_192, %add3A_771 : i32
      %jit3A_773 = arith.constant 1 : i32
      %jit3A_774 = arith.constant 0 : i32
      %select_n3A_775 = arith.select %le3A_772, %jit3A_773, %jit3A_774 : i32
      %add3A_776 = arith.addi %add3A_764, %select_n3A_775 : i32
      %le3A_777 = arith.cmpi sle, %squeeze3A_194, %add3A_714 : i32
      %jit3A_778 = arith.constant 1 : i32
      %jit3A_779 = arith.constant 0 : i32
      %select_n3A_780 = arith.select %le3A_777, %jit3A_778, %jit3A_779 : i32
      %add3A_781 = arith.addi %add3A_769, %select_n3A_780 : i32
      %add3A_782 = arith.constant 15 : i32
      %add3A_783 = arith.addi %add3A_714, %add3A_782 : i32
      %le3A_784 = arith.cmpi sle, %squeeze3A_194, %add3A_783 : i32
      %jit3A_785 = arith.constant 1 : i32
      %jit3A_786 = arith.constant 0 : i32
      %select_n3A_787 = arith.select %le3A_784, %jit3A_785, %jit3A_786 : i32
      %add3A_788 = arith.addi %add3A_776, %select_n3A_787 : i32
      %le3A_789 = arith.cmpi sle, %squeeze3A_196, %add3A_714 : i32
      %jit3A_790 = arith.constant 1 : i32
      %jit3A_791 = arith.constant 0 : i32
      %select_n3A_792 = arith.select %le3A_789, %jit3A_790, %jit3A_791 : i32
      %add3A_793 = arith.addi %add3A_781, %select_n3A_792 : i32
      %add3A_794 = arith.constant 15 : i32
      %add3A_795 = arith.addi %add3A_714, %add3A_794 : i32
      %le3A_796 = arith.cmpi sle, %squeeze3A_196, %add3A_795 : i32
      %jit3A_797 = arith.constant 1 : i32
      %jit3A_798 = arith.constant 0 : i32
      %select_n3A_799 = arith.select %le3A_796, %jit3A_797, %jit3A_798 : i32
      %add3A_800 = arith.addi %add3A_788, %select_n3A_799 : i32
      %le3A_801 = arith.cmpi sle, %squeeze3A_198, %add3A_714 : i32
      %jit3A_802 = arith.constant 1 : i32
      %jit3A_803 = arith.constant 0 : i32
      %select_n3A_804 = arith.select %le3A_801, %jit3A_802, %jit3A_803 : i32
      %add3A_805 = arith.addi %add3A_793, %select_n3A_804 : i32
      %add3A_806 = arith.constant 15 : i32
      %add3A_807 = arith.addi %add3A_714, %add3A_806 : i32
      %le3A_808 = arith.cmpi sle, %squeeze3A_198, %add3A_807 : i32
      %jit3A_809 = arith.constant 1 : i32
      %jit3A_810 = arith.constant 0 : i32
      %select_n3A_811 = arith.select %le3A_808, %jit3A_809, %jit3A_810 : i32
      %add3A_812 = arith.addi %add3A_800, %select_n3A_811 : i32
      %le3A_813 = arith.cmpi sle, %squeeze3A_200, %add3A_714 : i32
      %jit3A_814 = arith.constant 1 : i32
      %jit3A_815 = arith.constant 0 : i32
      %select_n3A_816 = arith.select %le3A_813, %jit3A_814, %jit3A_815 : i32
      %add3A_817 = arith.addi %add3A_805, %select_n3A_816 : i32
      %add3A_818 = arith.constant 15 : i32
      %add3A_819 = arith.addi %add3A_714, %add3A_818 : i32
      %le3A_820 = arith.cmpi sle, %squeeze3A_200, %add3A_819 : i32
      %jit3A_821 = arith.constant 1 : i32
      %jit3A_822 = arith.constant 0 : i32
      %select_n3A_823 = arith.select %le3A_820, %jit3A_821, %jit3A_822 : i32
      %add3A_824 = arith.addi %add3A_812, %select_n3A_823 : i32
      %le3A_825 = arith.cmpi sle, %squeeze3A_202, %add3A_714 : i32
      %jit3A_826 = arith.constant 1 : i32
      %jit3A_827 = arith.constant 0 : i32
      %select_n3A_828 = arith.select %le3A_825, %jit3A_826, %jit3A_827 : i32
      %add3A_829 = arith.addi %add3A_817, %select_n3A_828 : i32
      %add3A_830 = arith.constant 15 : i32
      %add3A_831 = arith.addi %add3A_714, %add3A_830 : i32
      %le3A_832 = arith.cmpi sle, %squeeze3A_202, %add3A_831 : i32
      %jit3A_833 = arith.constant 1 : i32
      %jit3A_834 = arith.constant 0 : i32
      %select_n3A_835 = arith.select %le3A_832, %jit3A_833, %jit3A_834 : i32
      %add3A_836 = arith.addi %add3A_824, %select_n3A_835 : i32
      %le3A_837 = arith.cmpi sle, %squeeze3A_204, %add3A_714 : i32
      %jit3A_838 = arith.constant 1 : i32
      %jit3A_839 = arith.constant 0 : i32
      %select_n3A_840 = arith.select %le3A_837, %jit3A_838, %jit3A_839 : i32
      %add3A_841 = arith.addi %add3A_829, %select_n3A_840 : i32
      %add3A_842 = arith.constant 15 : i32
      %add3A_843 = arith.addi %add3A_714, %add3A_842 : i32
      %le3A_844 = arith.cmpi sle, %squeeze3A_204, %add3A_843 : i32
      %jit3A_845 = arith.constant 1 : i32
      %jit3A_846 = arith.constant 0 : i32
      %select_n3A_847 = arith.select %le3A_844, %jit3A_845, %jit3A_846 : i32
      %add3A_848 = arith.addi %add3A_836, %select_n3A_847 : i32
      %le3A_849 = arith.cmpi sle, %squeeze3A_206, %add3A_714 : i32
      %jit3A_850 = arith.constant 1 : i32
      %jit3A_851 = arith.constant 0 : i32
      %select_n3A_852 = arith.select %le3A_849, %jit3A_850, %jit3A_851 : i32
      %add3A_853 = arith.addi %add3A_841, %select_n3A_852 : i32
      %add3A_854 = arith.constant 15 : i32
      %add3A_855 = arith.addi %add3A_714, %add3A_854 : i32
      %le3A_856 = arith.cmpi sle, %squeeze3A_206, %add3A_855 : i32
      %jit3A_857 = arith.constant 1 : i32
      %jit3A_858 = arith.constant 0 : i32
      %select_n3A_859 = arith.select %le3A_856, %jit3A_857, %jit3A_858 : i32
      %add3A_860 = arith.addi %add3A_848, %select_n3A_859 : i32
      %le3A_861 = arith.cmpi sle, %squeeze3A_208, %add3A_714 : i32
      %jit3A_862 = arith.constant 1 : i32
      %jit3A_863 = arith.constant 0 : i32
      %select_n3A_864 = arith.select %le3A_861, %jit3A_862, %jit3A_863 : i32
      %add3A_865 = arith.addi %add3A_853, %select_n3A_864 : i32
      %add3A_866 = arith.constant 15 : i32
      %add3A_867 = arith.addi %add3A_714, %add3A_866 : i32
      %le3A_868 = arith.cmpi sle, %squeeze3A_208, %add3A_867 : i32
      %jit3A_869 = arith.constant 1 : i32
      %jit3A_870 = arith.constant 0 : i32
      %select_n3A_871 = arith.select %le3A_868, %jit3A_869, %jit3A_870 : i32
      %add3A_872 = arith.addi %add3A_860, %select_n3A_871 : i32
      %le3A_873 = arith.cmpi sle, %squeeze3A_210, %add3A_714 : i32
      %jit3A_874 = arith.constant 1 : i32
      %jit3A_875 = arith.constant 0 : i32
      %select_n3A_876 = arith.select %le3A_873, %jit3A_874, %jit3A_875 : i32
      %add3A_877 = arith.addi %add3A_865, %select_n3A_876 : i32
      %add3A_878 = arith.constant 15 : i32
      %add3A_879 = arith.addi %add3A_714, %add3A_878 : i32
      %le3A_880 = arith.cmpi sle, %squeeze3A_210, %add3A_879 : i32
      %jit3A_881 = arith.constant 1 : i32
      %jit3A_882 = arith.constant 0 : i32
      %select_n3A_883 = arith.select %le3A_880, %jit3A_881, %jit3A_882 : i32
      %add3A_884 = arith.addi %add3A_872, %select_n3A_883 : i32
      %le3A_885 = arith.cmpi sle, %squeeze3A_212, %add3A_714 : i32
      %jit3A_886 = arith.constant 1 : i32
      %jit3A_887 = arith.constant 0 : i32
      %select_n3A_888 = arith.select %le3A_885, %jit3A_886, %jit3A_887 : i32
      %add3A_889 = arith.addi %add3A_877, %select_n3A_888 : i32
      %add3A_890 = arith.constant 15 : i32
      %add3A_891 = arith.addi %add3A_714, %add3A_890 : i32
      %le3A_892 = arith.cmpi sle, %squeeze3A_212, %add3A_891 : i32
      %jit3A_893 = arith.constant 1 : i32
      %jit3A_894 = arith.constant 0 : i32
      %select_n3A_895 = arith.select %le3A_892, %jit3A_893, %jit3A_894 : i32
      %add3A_896 = arith.addi %add3A_884, %select_n3A_895 : i32
      %ne3A_897 = arith.cmpi ne, %add3A_889, %add3A_896 : i32
      %ne3A_898 = arith.cmpi ne, %scan3A_425, %add3A_889 : i32
      %or3A_899 = arith.ori %ne3A_897, %ne3A_898 : i1
      %and3A_900 = arith.andi %lt3A_709, %or3A_899 : i1
      %convert_element_type3A_901 = arith.extui %and3A_900 : i1 to i32
      %cond3A_902 = arith.constant 0 : i32
      %cond3A_903 = arith.cmpi ne, %convert_element_type3A_901, %cond3A_902 : i32
      scf.if %cond3A_903 {
        %iota3A = tpu.iota {dimensions = array<i32: 0>} : vector<16xi32>
        %add3A_908 = vector.broadcast %add3A_714 : i32 to vector<16xi32>
        %add3A_909 = arith.addi %add3A_908, %iota3A : vector<16xi32>
        %le3A_910 = arith.cmpi sle, %gather3A_16, %add3A_909 : vector<16xi32>
        %select_n3A_911 = arith.select %le3A_910, %broadcast_in_dim3A_5, %broadcast_in_dim3A_7 : vector<16xi1>, vector<16xi32>
        %add3A_912 = arith.addi %broadcast_in_dim3A_7, %select_n3A_911 : vector<16xi32>
        %le3A_913 = arith.cmpi sle, %gather3A_28, %add3A_909 : vector<16xi32>
        %select_n3A_914 = arith.select %le3A_913, %broadcast_in_dim3A_5, %broadcast_in_dim3A_7 : vector<16xi1>, vector<16xi32>
        %add3A_915 = arith.addi %add3A_912, %select_n3A_914 : vector<16xi32>
        %le3A_916 = arith.cmpi sle, %gather3A_40, %add3A_909 : vector<16xi32>
        %select_n3A_917 = arith.select %le3A_916, %broadcast_in_dim3A_5, %broadcast_in_dim3A_7 : vector<16xi1>, vector<16xi32>
        %add3A_918 = arith.addi %add3A_915, %select_n3A_917 : vector<16xi32>
        %le3A_919 = arith.cmpi sle, %gather3A_52, %add3A_909 : vector<16xi32>
        %select_n3A_920 = arith.select %le3A_919, %broadcast_in_dim3A_5, %broadcast_in_dim3A_7 : vector<16xi1>, vector<16xi32>
        %add3A_921 = arith.addi %add3A_918, %select_n3A_920 : vector<16xi32>
        %le3A_922 = arith.cmpi sle, %gather3A_64, %add3A_909 : vector<16xi32>
        %select_n3A_923 = arith.select %le3A_922, %broadcast_in_dim3A_5, %broadcast_in_dim3A_7 : vector<16xi1>, vector<16xi32>
        %add3A_924 = arith.addi %add3A_921, %select_n3A_923 : vector<16xi32>
        %le3A_925 = arith.cmpi sle, %gather3A_76, %add3A_909 : vector<16xi32>
        %select_n3A_926 = arith.select %le3A_925, %broadcast_in_dim3A_5, %broadcast_in_dim3A_7 : vector<16xi1>, vector<16xi32>
        %add3A_927 = arith.addi %add3A_924, %select_n3A_926 : vector<16xi32>
        %le3A_928 = arith.cmpi sle, %gather3A_88, %add3A_909 : vector<16xi32>
        %select_n3A_929 = arith.select %le3A_928, %broadcast_in_dim3A_5, %broadcast_in_dim3A_7 : vector<16xi1>, vector<16xi32>
        %add3A_930 = arith.addi %add3A_927, %select_n3A_929 : vector<16xi32>
        %le3A_931 = arith.cmpi sle, %gather3A_100, %add3A_909 : vector<16xi32>
        %select_n3A_932 = arith.select %le3A_931, %broadcast_in_dim3A_5, %broadcast_in_dim3A_7 : vector<16xi1>, vector<16xi32>
        %add3A_933 = arith.addi %add3A_930, %select_n3A_932 : vector<16xi32>
        %le3A_934 = arith.cmpi sle, %gather3A_112, %add3A_909 : vector<16xi32>
        %select_n3A_935 = arith.select %le3A_934, %broadcast_in_dim3A_5, %broadcast_in_dim3A_7 : vector<16xi1>, vector<16xi32>
        %add3A_936 = arith.addi %add3A_933, %select_n3A_935 : vector<16xi32>
        %le3A_937 = arith.cmpi sle, %gather3A_124, %add3A_909 : vector<16xi32>
        %select_n3A_938 = arith.select %le3A_937, %broadcast_in_dim3A_5, %broadcast_in_dim3A_7 : vector<16xi1>, vector<16xi32>
        %add3A_939 = arith.addi %add3A_936, %select_n3A_938 : vector<16xi32>
        %le3A_940 = arith.cmpi sle, %gather3A_136, %add3A_909 : vector<16xi32>
        %select_n3A_941 = arith.select %le3A_940, %broadcast_in_dim3A_5, %broadcast_in_dim3A_7 : vector<16xi1>, vector<16xi32>
        %add3A_942 = arith.addi %add3A_939, %select_n3A_941 : vector<16xi32>
        %le3A_943 = arith.cmpi sle, %gather3A_148, %add3A_909 : vector<16xi32>
        %select_n3A_944 = arith.select %le3A_943, %broadcast_in_dim3A_5, %broadcast_in_dim3A_7 : vector<16xi1>, vector<16xi32>
        %add3A_945 = arith.addi %add3A_942, %select_n3A_944 : vector<16xi32>
        %le3A_946 = arith.cmpi sle, %gather3A_160, %add3A_909 : vector<16xi32>
        %select_n3A_947 = arith.select %le3A_946, %broadcast_in_dim3A_5, %broadcast_in_dim3A_7 : vector<16xi1>, vector<16xi32>
        %add3A_948 = arith.addi %add3A_945, %select_n3A_947 : vector<16xi32>
        %le3A_949 = arith.cmpi sle, %gather3A_172, %add3A_909 : vector<16xi32>
        %select_n3A_950 = arith.select %le3A_949, %broadcast_in_dim3A_5, %broadcast_in_dim3A_7 : vector<16xi1>, vector<16xi32>
        %add3A_951 = arith.addi %add3A_948, %select_n3A_950 : vector<16xi32>
        %le3A_952 = arith.cmpi sle, %gather3A_184, %add3A_909 : vector<16xi32>
        %select_n3A_953 = arith.select %le3A_952, %broadcast_in_dim3A_5, %broadcast_in_dim3A_7 : vector<16xi1>, vector<16xi32>
        %add3A_954 = arith.addi %add3A_951, %select_n3A_953 : vector<16xi32>
        %dma_start3A_955 = arith.constant 0 : i32
        %dma_start3A_956 = arith.constant 1024 : i32
        %dma_start3A_957 = tpu.memref_slice %arg7[%dma_start3A_955, %dma_start3A_956] : memref<16x2048xf32, #tpu.memory_space<vmem>> -> memref<16x1024xf32, #tpu.memory_space<vmem>>
        %dma_start3A_958 = arith.constant 0 : i32
        %dma_start3A_959 = arith.constant 0 : i32
        %dma_start3A_960 = tpu.memref_slice %arg2[%dma_start3A_958, %dma_start3A_959] : memref<16x1024xf32, #tpu.memory_space<hbm>> -> memref<16x1024xf32, #tpu.memory_space<hbm>>
        tpu.enqueue_indirect_dma source(%dma_start3A_960 : memref<16x1024xf32, #tpu.memory_space<hbm>>) target(%dma_start3A_957 : memref<16x1024xf32, #tpu.memory_space<vmem>>) offsets(%add3A_954 : vector<16xi32>) semaphore(%arg11 : memref<!tpu.dma_semaphore, #tpu.memory_space<semaphore_mem>>)
      } else {
      }
      %eq3A_904 = arith.cmpi eq, %add3A_889, %add3A_896 : i32
      %jit3A_905 = arith.constant -1 : i32
      %select_n3A_906 = arith.select %eq3A_904, %add3A_889, %jit3A_905 : i32
      %select_n3A_907 = arith.select %lt3A_709, %select_n3A_906, %scan3A_425 : i32
      scf.yield %select_n3A_907, %select_n3A_667, %and3A_900, %and3A_660 : i32, i32, i1, i1
    }
    %scan3A_418 = arith.constant 32 : i32
    %dma_wait3A = arith.constant 0 : i32
    %dma_wait3A_419 = arith.constant 0 : i32
    %dma_wait3A_420 = tpu.memref_slice %arg5[%dma_wait3A, %dma_wait3A_419] : memref<32768x2048xf32, #tpu.memory_space<hbm>> -> memref<16x2048xf32, #tpu.memory_space<hbm>>
    %dma_wait3A_421 = arith.constant 0 : i32
    %dma_wait3A_422 = arith.constant 0 : i32
    %dma_wait3A_423 = tpu.memref_slice %arg5[%dma_wait3A_421, %dma_wait3A_422] : memref<32768x2048xf32, #tpu.memory_space<hbm>> -> memref<16x2048xf32, #tpu.memory_space<hbm>>
    tpu.wait_dma2 semaphore(%arg14 : memref<!tpu.dma_semaphore, #tpu.memory_space<semaphore_mem>>) src(%arg8 : memref<16x2048xf32, #tpu.memory_space<vmem>>) dst(%dma_wait3A_423 : memref<16x2048xf32, #tpu.memory_space<hbm>>)
    return
  }
}

</mosaic_0001>

<sc_bundles>
// kernel: kernel.3.cloned.1.call-start
scs
__scs_entry_jumppad:
0x0: {  	(pc) =	sbr.rel $0x88, $3  }
0x1: {  	(tag) =	ssettag $0x0;
	lr =	simm.s32 $0x1  }
0x2: {  	[smem:$0x3F9E] =	sst lr;
	_ =	strace $0xD0000000  }
0x3: {  	_ = 	snop  }
0x4: {  	_ = 	snop  }
0x5: {  	_ = 	snop  }
0x6: {  	_ = 	snop  }
0x7: {  	_ = 	snop  }
__scs_overlays_trampoline_lowered:
0x8: {  	[smem:$0x3FAD] =	sst s0  }
0x9: {  	[smem:$0x3FAE] =	sst s1  }
0xa: {  	[smem:$0x3FAF] =	sst s2  }
0xb: {  	[smem:$0x3FB0] =	sst s3  }
0xc: {  	[smem:$0x3FB1] =	sst s4  }
0xd: {  	[smem:$0x3FB2] =	sst s5  }
0xe: {  	[smem:$0x3FB3] =	sst s6  }
0xf: {  	[smem:$0x3FB4] =	sst s7  }
0x10: {  	[smem:$0x3FB5] =	sst s8  }
0x11: {  	[smem:$0x3FB6] =	sst s9;
	s0 =	simm.s32 @!p0 $0x0  }
0x12: {  	s1 =	sld [smem:$0x3F9C];
	s0 =	simm.s32 @p0 $0x1  }
0x13: {  	[smem:$0x3FB7] =	sst s0;
	s0 =	simm.s32 @!p1 $0x0  }
0x14: {  	s2 =	sld [smem:$0x3F9B];
	s0 =	simm.s32 @p1 $0x1  }
0x15: {  	[smem:$0x3FB8] =	sst s0;
	s0 =	simm.s32 @!p2 $0x0  }
0x16: {  	s3 =	sld [smem:$0x3FDB];
	s0 =	simm.s32 @p2 $0x1  }
0x17: {  	s4 =	simm.s32 $0x1BF5;
	[smem:$0x3FBA] =	sst s0  }
0x18: {  	s0 =	sld [smem:$0x3F9D];
	_ =	swait.ge [sflag:s4], $0x0  }
0x19: {  	s7 =	sld [smem:$0x3F9E]  }
0x1a: {  	s8 =	sadd.s32 $0xFFFFE003, lr  }
0x1b: {  	s9 =	sadd.s32 $0xFFFFFEF7, lr;
	s5 =	simm.s32 $0xFFFFFFFF;
	p2 =	slt.u32 s8, $0xFFFFF086  }
0x1c: {  	p1 =	slt.u32 s9, $0xF7A;
	s5 =	simm.s32 @!p2 $0x0  }
0x1d: {  	s5 =	simm.s32 @p1 $0x1;
	p0 =	seq.s32 s7, s2  }
0x1e: {  	s7 =	smul.u32 @!p0 $0xF7A, s2;
	p2 =	seq.s32 @!p0 s5, $0x0  }
0x1f: {  	s9 =	smul.u32 $0xF7A, s1;
	s8 =	simm.s32 @!p0 $0x1BF5;
	p2 =	por !p2, p0  }
0x20: {  	[sflag:s8] =	ssyncset.s32 @!p0 $0xFFFFF086;
	s6 =	sadd.s32 @!p0 s3, s7;
	s7 =	simm.s32 @!p0 $0x108  }
0x21: {  	s3 =	sadd.s32 s3, s9;
	s6 =	sadd.s32 @!p0 $0x88, s6;
	s7 =	simm.s32 @p2 $0x1082  }
0x22: {  	[simem:s7], [sflag:s8] =	dma.local @!p0 [hbm:s6], $0xF7A  }
0x23: {  	s9 =	sor.u32 $0xD0000000, s2;
	s6 =	simm.s32 $0x108;
	_ =	swait.ge @!p0 [sflag:s8], $0x0  }
0x24: {  	s3 =	sadd.s32 $0x88, s3;
	s6 =	simm.s32 @!p1 $0x1082;
	[sflag:s4] =	ssyncset.s32 $0xFFFFF086  }
0x25: {  	[simem:s6], [sflag:s4] =	dma.local [hbm:s3], $0xF7A  }
0x26: {  	[smem:$0x3F9E] =	sst s1;
	(tag) =	ssettag s2;
	_ =	strace s9  }
0x27: {  	s1 =	sld [smem:$0x3FAE]  }
0x28: {  	s2 =	sld [smem:$0x3FAF]  }
0x29: {  	s4 =	sld [smem:$0x3FB1]  }
0x2a: {  	p0 =	seq.s32 s5, $0x0;
	s5 =	sld [smem:$0x3FB2]  }
0x2b: {  	s6 =	sld [smem:$0x3FB3]  }
0x2c: {  	s7 =	sld [smem:$0x3FB4]  }
0x2d: {  	s3 =	simm.s32 $0x108;
	s8 =	sld [smem:$0x3FB5]  }
0x2e: {  	s3 =	simm.s32 @!p0 $0x1082;
	s9 =	sld [smem:$0x3FB6]  }
0x2f: {  	lr =	sadd.s32 s0, s3;
	s0 =	sld [smem:$0x3FAD]  }
0x30: {  	s3 =	sld [smem:$0x3FB0]  }
0x31: {  	[smem:$0x3FB9] =	sst s10  }
0x32: {  	s10 =	sld [smem:$0x3FB7];
	_ =	sdelay $0x3  }
0x33: {  	p0 =	seq.s32 s10, $0x1;
	s10 =	sld [smem:$0x3FB9];
	_ =	sdelay $0x3  }
0x34: {  	[smem:$0x3FB9] =	sst s10  }
0x35: {  	s10 =	sld [smem:$0x3FB8];
	_ =	sdelay $0x3  }
0x36: {  	p1 =	seq.s32 s10, $0x1;
	s10 =	sld [smem:$0x3FB9];
	_ =	sdelay $0x3  }
0x37: {  	[smem:$0x3FB9] =	sst s10  }
0x38: {  	s10 =	sld [smem:$0x3FBA]  }
0x39: {  	_ = 	snop;
	(pc) =	sbr.ind lr, $3  }
0x3a: {  	_ = 	snop  }
0x3b: {  	_ = 	snop  }
0x3c: {  	p2 =	seq.s32 s10, $0x1;
	s10 =	sld [smem:$0x3FB9]  }
0x3d: {  	_ =	shalt  }
0x3e: {  	_ =	shalt  }
0x3f: {  	_ =	shalt  }
0x40: {  	_ =	shalt  }
0x41: {  	_ =	shalt  }
0x42: {  	_ =	shalt  }
0x43: {  	_ =	shalt  }
0x44: {  	_ =	shalt  }
0x45: {  	_ =	shalt  }
0x46: {  	_ =	shalt  }
0x47: {  	_ =	shalt  }
0x48: {  	_ =	shalt  }
0x49: {  	_ =	shalt  }
0x4a: {  	_ =	shalt  }
0x4b: {  	_ =	shalt  }
0x4c: {  	_ =	shalt  }
0x4d: {  	_ =	shalt  }
0x4e: {  	_ =	shalt  }
0x4f: {  	_ =	shalt  }
0x50: {  	_ =	shalt  }
0x51: {  	_ =	shalt  }
0x52: {  	_ =	shalt  }
0x53: {  	_ =	shalt  }
0x54: {  	_ =	shalt  }
0x55: {  	_ =	shalt  }
0x56: {  	_ =	shalt  }
0x57: {  	_ =	shalt  }
0x58: {  	_ =	shalt  }
0x59: {  	_ =	shalt  }
0x5a: {  	_ =	shalt  }
0x5b: {  	_ =	shalt  }
0x5c: {  	_ =	shalt  }
0x5d: {  	_ =	shalt  }
0x5e: {  	_ =	shalt  }
0x5f: {  	_ =	shalt  }
0x60: {  	_ =	shalt  }
0x61: {  	_ =	shalt  }
0x62: {  	_ =	shalt  }
0x63: {  	_ =	shalt  }
0x64: {  	_ =	shalt  }
0x65: {  	_ =	shalt  }
0x66: {  	_ =	shalt  }
0x67: {  	_ =	shalt  }
0x68: {  	_ =	shalt  }
0x69: {  	_ =	shalt  }
0x6a: {  	_ =	shalt  }
0x6b: {  	_ =	shalt  }
0x6c: {  	_ =	shalt  }
0x6d: {  	_ =	shalt  }
0x6e: {  	_ =	shalt  }
0x6f: {  	_ =	shalt  }
0x70: {  	_ =	shalt  }
0x71: {  	_ =	shalt  }
0x72: {  	_ =	shalt  }
0x73: {  	_ =	shalt  }
0x74: {  	_ =	shalt  }
0x75: {  	_ =	shalt  }
0x76: {  	_ =	shalt  }
0x77: {  	_ =	shalt  }
0x78: {  	_ =	shalt  }
0x79: {  	_ =	shalt  }
0x7a: {  	_ =	shalt  }
0x7b: {  	_ =	shalt  }
0x7c: {  	_ =	shalt  }
0x7d: {  	_ =	shalt  }
0x7e: {  	_ =	shalt  }
0x7f: {  	_ =	shalt  }
0x80: {  	_ =	shalt  }
0x81: {  	_ =	shalt  }
0x82: {  	_ =	shalt  }
0x83: {  	_ =	shalt  }
0x84: {  	_ =	shalt  }
0x85: {  	_ =	shalt  }
0x86: {  	_ =	shalt  }
0x87: {  	_ =	shalt  }
.Lfunc_end0:
.L_simem_size_0:
called_computation_lowered:
.L_overlay_start_0:
0x88: {  	s2 =	sld [smem:$0x3FD9]  }
0x89: {  	s3 =	sld [smem:$0x3FFE];
	_ =	sdelay $0x1  }
0x8a: {  	s1 =	srdreg.scid  }
0x8b: {  	s0 =	sand.u32 $0x1, s1  }
0x8c: {  	s18 =	sshll.u32 s0, $0xA;
	s2 =	sadd.s32 s3, s2  }
0x8d: {  	s2 =	sadd.s32 s2, s18  }
0x8e: {  	[smem:$0x3FC5] =	sst s2  }
0x8f: {  	_ = 	snop  }
0x90: {  	s2 =	sld [smem:$0x3FC9]  }
0x91: {  	s19 =	sld [smem:$0x3FC8]  }
0x92: {  	s4 =	sld [smem:$0x3FC7]  }
0x93: {  	s5 =	sld [smem:$0x3FD0];
	(tm) =	ssettm $0x1  }
0x94: {  	s6 =	sld [smem:$0x3FFB];
	_ =	sdelay $0x3  }
0x95: {  	_ =	strace s6  }
0x96: {  	s6 =	sld [smem:$0x3FFC];
	_ =	sdelay $0x3  }
0x97: {  	_ =	strace s6  }
0x98: {  	s6 =	sld [smem:$0x3FFD];
	_ =	sdelay $0x3  }
0x99: {  	_ =	strace s6  }
0x9a: {  	_ =	strace $0x8FFFFFFF  }
0x9b: {  	s20 =	sld [smem:$0x3FDB];
	_ =	sdelay $0x1  }
0x9c: {  	s7 =	simm.s32 $_scs_section_size  }
0x9d: {  	s8 =	simm.s32 $_size__tile_overlayer_lowered;
	s9 =	simm.s32 $_tile_overlayer_lowered  }
0x9e: {  	s23 =	simm.s32 $0x1BFF;
	s22 =	sshll.u32 s9, $0x1;
	s6 =	sadd.s32 s7, s20  }
0x9f: {  	s10 =	simm.s32 $0x0;
	s21 =	sshll.u32 s8, $0x1;
	s8 =	sadd.s32 s22, s6  }
0xa0: {  	[timem:s10], [sflag:s23] =	dma.local [hbm:s8], s21  }
0xa1: {  	_ =	swait.ge [sflag:s23], s21  }
0xa2: {  	s7 =	ssub.s32 $0x0, s21;
	[sflag:s23] =	ssyncset.done $0x0  }
0xa3: {  	[sflag:s23] =	ssyncadd.s32 s7;
	_ =	sdelay $0x1  }
0xa4: {  	s24 =	simm.s32 $0x1B8B  }
0xa5: {  	_ =	swait.ge [sflag:s24], $0x1  }
0xa6: {  	[sflag:s24] =	ssyncset.done $0x0  }
0xa7: {  	s25 =	simm.s32 $0x1B8E;
	[sflag:s24] =	ssyncadd.s32 $0xFFFFFFFF  }
0xa8: {  	s26 =	simm.s32 $execute0_lowered;
	[smem:$0x3FD2] =	sst s25  }
0xa9: {  	s7 =	sshll.u32 s26, $0x1;
	_ =	strace $0x80000046;
	[dreg:$0x1] =	wrdreg $0xFFFFFFFF  }
0xaa: {  	s28 =	simm.s32 $_size_execute0_lowered;
	s6 =	sadd.s32 s6, s7;
	[dreg:$0x0] =	wrdreg $0x0  }
0xab: {  	s7 =	sshll.u32 s28, $0x1;
	[dreg:$0x2] =	wrdreg s6  }
0xac: {  	[dreg:$0x3] =	wrdreg s7  }
0xad: {  	[dreg:$0x4] =	wrdreg $0xC0  }
0xae: {  	_ =	task [dreg:s10], $0x5FFFF  }
0xaf: {  	[dreg:$0x1] =	wrdreg $0xFFFFFFFF  }
0xb0: {  	[dreg:$0x0] =	wrdreg $0x60  }
0xb1: {  	[dreg:$0x2] =	wrdreg s2  }
0xb2: {  	[dreg:$0x3] =	wrdreg s19  }
0xb3: {  	[dreg:$0x4] =	wrdreg s4  }
0xb4: {  	[dreg:$0x5] =	wrdreg s5  }
0xb5: {  	[dreg:$0x6] =	wrdreg $0x9  }
0xb6: {  	_ =	task.clear_ibuf [dreg:s10], $0x7FFFF;
	_ =	strace $0x90000046  }
0xb7: {  	s29 =	simm.s32 $0x9;
	_ =	strace $0x80000048  }
0xb8: {  	_ =	swait.ge [sflag:s29], $0x1  }
0xb9: {  	[sflag:s29] =	ssyncadd.s32 $0xFFFFFFFF  }
0xba: {  	_ =	strace $0x90000048  }
0xbb: {  	_ =	sfence  }
0xbc: {  	s30 =	sld [smem:$0x0];
	_ =	sdelay $0x2  }
0xbd: {  	s31 =	sshll.u32 s1, $0xD;
	s1 =	sshrl.u32 s1, $0x2  }
0xbe: {  	s3 =	sand.u32 $0x4000, s31;
	s1 =	sadd.s32 s1, s30  }
0xbf: {  	s0 =	sor.u32 s3, s0;
	s1 =	sshll.u32 s1, $0x11  }
0xc0: {  	s0 =	sor.u32 s1, s0  }
0xc1: {  	s0 =	sadd.s32 $0x8F2B, s0  }
0xc2: {  	[sflag:s0] =	ssyncadd.remote.s32 $0x1  }
0xc3: {  	_ =	sfence.sel $0xFFFF  }
0xc4: {  	[dreg:$0x0] =	wrdreg $0xFFFFFFFF;
	(pc) =	sbr.abs _section_cstart, $3  }
0xc5: {  	[dreg:$0x1] =	wrdreg $0xFFFFFFFF  }
0xc6: {  	_ =	task.clear_ibuf [dreg:s10], $0x2FFFF;
	_ =	strace $0x9FFFFFFF  }
0xc7: {  	(tm) =	ssettm $0x7FFFFFFF  }
tec
execute0_lowered:
.L_overlay_start_1:
0x0: {  	(tag) =	ssettag $0x1  }
0x1: {  	s8 =	rddreg [dreg:$0x0]  }
0x2: {  	s0 =	rddreg [dreg:$0x1]  }
0x3: {  	s1 =	rddreg [dreg:$0x3]  }
0x4: {  	s2 =	srdreg.scid;
	s4 =	simm.s32 $0x0;
	s11 =	stileid.u32  }
0x5: {  	s2 =	sand.u32 $0x1, s2;
	s5 =	sshll.u32 s11, $0xB;
	[smem:$0x7FF] =	sst s4  }
0x6: {  	s26 =	sadd.s32 $0x100, s8;
	s28 =	sshll.u32 s11, $0x12;
	s29 =	sshll.u32 s11, $0x13  }
0x7: {  	s3 =	ssub.s32 $0x2, s2;
	s6 =	sshll.u32 s2, $0xA;
	_ =	strace $0x80000047  }
0x8: {  	s30 =	sshll.u32 s2, $0x11;
	s1 =	sadd.s32 s29, s1;
	s2 =	sshll.u32 s2, $0x12  }
0x9: {  	v0 =	vlaneseq.u32;
	v2 =	vimm.s32 $0x1;
	[dreg:$0x8] =	wrdreg s26;
	s7 =	sshrl.u32 s3, $0x1;
	s1 =	sadd.s32 s2, s1  }
0xa: {  	v3 =	vimm.s32 $0x2;
	v4 =	vimm.s32 $0x3;
	v5 =	vimm.s32 $0x4;
	s12 =	sor.u32 s6, s5;
	s3 =	ssub.s32 s3, s7;
	[dreg:$0xa] =	wrdreg s1  }
0xb: {  	v6 =	vimm.s32 $0x5;
	v7 =	vimm.s32 $0x6;
	v8 =	vimm.s32 $0x7;
	s5 =	sshll.u32 s12, $0x7;
	s25 =	sor.u32 $0xF, s12;
	[dreg:$0x5] =	wrdreg s12  }
.Ltmp0:
0xc: {  	v9 =	vimm.s32 $0x8;
	v10 =	vimm.s32 $0x9;
	v11 =	vimm.s32 $0xA;
	[dreg:$0x7] =	wrdreg s25;
	s3 =	smax.u32 s3, $0x1;
	(pc) =	sbr.rel .LBB2_1-.Ltmp0, $4  }
0xd: {  	v12 =	vimm.s32 $0xB;
	v13 =	vimm.s32 $0xC;
	v14 =	vimm.s32 $0xD;
	s24 =	sadd.s32 s0, s5;
	s0 =	sadd.s32 s28, s0;
	[dreg:$0x9] =	wrdreg s3  }
0xe: {  	v15 =	vimm.s32 $0xE;
	v16 =	vimm.s32 $0xF;
	v17 =	vimm.s32 $0x0;
	s0 =	sadd.s32 s30, s0;
	[dreg:$0x6] =	wrdreg s24;
	s31 =	sadd.s32 $0x400, s24  }
0xf: {  	vm0 =	vmmov $0xffff;
	s9 =	sadd.s32 $0x200, s8;
	v18 =	vand.u32 $0x7, v0;
	v19 =	vshrl.u32 v0, $0x3;
	s0 =	sadd.s32 $0x800, s0;
	[dreg:$0xc] =	wrdreg s31  }
0x10: {  	s10 =	sadd.s32 $0x300, s8;
	v20 =	vor.u32 $0x8, v0;
	v19 =	vmul.u32 $0x8, v19;
	s2 =	simm.s32 $0x0;
	v1 =	vor.u32 s12, v0;
	[dreg:$0xb] =	wrdreg s0  }
.LBB2_7:
0x11: {  	s1 =	simm.s32 $0x6  }
0x12: {  	_ =	swait.ge [sflag:s1], $0x8000  }
0x13: {  	s2 =	rddreg [dreg:$0xd]  }
0x14: {  	s0 =	rddreg [dreg:$0x9];
	s2 =	sadd.s32 $0x1, s2  }
0x15: {  	p0 =	sne.s32 s2, s0  }
.Ltmp1:
0x16: {  	_ = 	snop;
	(pc) =	sbr.rel @!p0 .LBB2_8-.Ltmp1, $3  }
0x17: {  	_ =	sdelay $0x1  }
0x18: {  	[sflag:s1] =	ssyncset.done $0x0  }
0x19: {  	[sflag:s1] =	ssyncadd.s32 $0xFFFF8000  }
.LBB2_1:
0x1a: {  	[dreg:$0xd] =	wrdreg s2  }
0x1b: {  	s0 =	rddreg [dreg:$0x2];
	s23 =	simm.s32 $0x7  }
0x1c: {  	[tilespmem:s4], [sflag:$0x7] =	stream.linear.gather [hbm4b:s0+s4], $0x10, $0x38;
	[tilespmem:$0x10080] =	vst v63  }
0x1d: {  	_ =	swait.ge [sflag:s23], $0x10  }
0x1e: {  	[sflag:s23] =	ssyncset.done $0x0  }
0x1f: {  	[sflag:s23] =	ssyncadd.s32 $0xFFFFFFF0  }
0x20: {  	v35 =	vld [tilespmem:$0x0];
	_ =	sdelay $0x4  }
0x21: {  	(v2sf) =	vpush v35, $0x1  }
0x22: {  	(v2sf) =	vpush v35, $0x2  }
0x23: {  	(v2sf) =	vpush v35, $0x3  }
0x24: {  	v21 =	vperm.xlane v35, v2;
	v22 =	vperm.xlane v35, v3;
	(v2sf) =	vpush v35, $0x4  }
0x25: {  	v23 =	vperm.xlane v35, v4;
	v24 =	vperm.xlane v35, v5;
	(v2sf) =	vpush v35, $0x5  }
0x26: {  	v25 =	vperm.xlane v35, v6;
	v26 =	vperm.xlane v35, v7;
	(v2sf) =	vpush v35, $0x6  }
0x27: {  	v27 =	vperm.xlane v35, v8;
	v28 =	vperm.xlane v35, v9  }
0x28: {  	v29 =	vperm.xlane v35, v10;
	vm1 =	vle.s32 v21, v1;
	(v2sf) =	vpush v35, $0x7  }
0x29: {  	s5 =	simm.s32 $0x80;
	v36 =	vsel vm1, $0x1, v17;
	vm1 =	vle.s32 v22, v1;
	(v2sf) =	vpush v35, $0x8  }
0x2a: {  	s25 =	simm.s32 $0x4080;
	s7 =	simm.s32 $0x1;
	s1 =	rddreg [dreg:$0x6];
	v30 =	vperm.xlane v35, v11;
	v37 =	vsel vm1, $0x1, v17;
	vm1 =	vle.s32 v23, v1  }
0x2b: {  	s15 =	simm.s32 $0x1;
	s18 =	simm.s32 $0x2080;
	s24 =	rddreg [dreg:$0xc];
	v36 =	vadd.s32 v36, v37;
	v51 =	vsel vm1, $0x1, v17;
	(v2sf) =	vpush v35, $0x9  }
0x2c: {  	s26 =	simm.s32 $0x2880;
	s28 =	simm.s32 $0x3080;
	s12 =	rddreg [dreg:$0x5];
	v31 =	vperm.xlane v35, v12;
	vm1 =	vle.s32 v24, v1;
	v36 =	vadd.s32 v51, v36  }
0x2d: {  	[tilespmem:s5], [sflag:$0x1] =	stream.linear.gather [hbm4b:s1+s4], $0x2000, $0x38;
	v52 =	vsel vm1, $0x1, v17;
	vm1 =	vle.s32 v25, v1;
	(v2sf) =	vpush v35, $0xA;
	[tilespmem:$0x10080] =	vst v63  }
0x2e: {  	s29 =	simm.s32 $0x3880;
	s13 =	rddreg [dreg:$0x7];
	s1 =	simm.s32 $0x1;
	v36 =	vadd.s32 v52, v36;
	v53 =	vsel vm1, $0x1, v17;
	(v2sf) =	vpush v35, $0xB  }
0x2f: {  	[tilespmem:s25], [sflag:$0x1] =	stream.linear.gather [hbm4b:s24+s4], $0x2000, $0x38;
	v32 =	vperm.xlane v35, v13;
	vm1 =	vle.s32 v26, v1;
	v36 =	vadd.s32 v53, v36;
	[tilespmem:$0x10080] =	vst v63  }
0x30: {  	s5 =	simm.s32 $0x1;
	s8 =	rddreg [dreg:$0x0];
	v54 =	vsel vm1, $0x1, v17;
	vm1 =	vle.s32 v27, v1;
	(v2sf) =	vpush v35, $0xC;
	s6 =	spop (v2sf)  }
0x31: {  	s24 =	simm.s32 $0x1;
	v33 =	vperm.xlane v35, v14;
	v36 =	vadd.s32 v54, v36;
	v55 =	vsel vm1, $0x1, v17;
	s14 =	spop (v2sf);
	p0 =	sle.s32 s6, s12  }
0x32: {  	vm1 =	vle.s32 v28, v1;
	v36 =	vadd.s32 v55, v36;
	(v2sf) =	vpush v35, $0xD;
	s30 =	spop (v2sf);
	s1 =	simm.s32 @!p0 $0x0;
	p0 =	sle.s32 s6, s13  }
0x33: {  	v56 =	vsel vm1, $0x1, v17;
	vm1 =	vle.s32 v29, v1;
	(v2sf) =	vpush v35, $0xE;
	s31 =	spop (v2sf);
	s5 =	simm.s32 @!p0 $0x0;
	p0 =	sle.s32 s14, s12  }
0x34: {  	v36 =	vadd.s32 v56, v36;
	v57 =	vsel vm1, $0x1, v17;
	vm1 =	vle.s32 v30, v1;
	s0 =	spop (v2sf);
	s7 =	simm.s32 @!p0 $0x0;
	p0 =	sle.s32 s14, s13  }
0x35: {  	s25 =	simm.s32 $0x1;
	v36 =	vadd.s32 v57, v36;
	v58 =	vsel vm1, $0x1, v17;
	vm1 =	vle.s32 v31, v1;
	s3 =	spop (v2sf);
	s15 =	simm.s32 @!p0 $0x0  }
0x36: {  	v36 =	vadd.s32 v58, v36;
	v59 =	vsel vm1, $0x1, v17;
	(v2sf) =	vpush v35, $0xF;
	p0 =	sle.s32 s30, s12;
	s1 =	sadd.s32 s7, s1;
	s7 =	simm.s32 $0x1  }
0x37: {  	v34 =	vperm.xlane v35, v15;
	vm1 =	vle.s32 v32, v1;
	v36 =	vadd.s32 v59, v36;
	s2 =	spop (v2sf);
	s5 =	sadd.s32 s15, s5;
	s24 =	simm.s32 @!p0 $0x0  }
0x38: {  	v60 =	vsel vm1, $0x1, v17;
	vm1 =	vle.s32 v33, v1;
	v35 =	vperm.xlane v35, v16;
	p0 =	sle.s32 s30, s13;
	s15 =	simm.s32 $0x1;
	s17 =	spop (v2sf)  }
0x39: {  	v36 =	vadd.s32 v60, v36;
	v61 =	vsel vm1, $0x1, v17;
	vm1 =	vle.s32 v34, v1;
	s1 =	sadd.s32 s24, s1;
	s7 =	simm.s32 @!p0 $0x0;
	p0 =	sle.s32 s31, s12  }
0x3a: {  	v36 =	vadd.s32 v61, v36;
	v62 =	vsel vm1, $0x1, v17;
	vm1 =	vle.s32 v35, v1;
	s24 =	simm.s32 $0x1;
	s11 =	spop (v2sf);
	s15 =	simm.s32 @!p0 $0x0  }
0x3b: {  	v36 =	vadd.s32 v62, v36;
	v63 =	vsel vm1, $0x1, v17;
	p0 =	sle.s32 s31, s13;
	s5 =	sadd.s32 s7, s5;
	s7 =	simm.s32 $0x1  }
0x3c: {  	v36 =	vadd.s32 v63, v36;
	s16 =	spop (v2sf);
	s1 =	sadd.s32 s15, s1;
	s24 =	simm.s32 @!p0 $0x0  }
0x3d: {  	v37 =	vshll.u32 v36, $0x3;
	p0 =	sle.s32 s0, s12;
	s15 =	simm.s32 $0x1;
	s19 =	spop (v2sf)  }
0x3e: {  	v36 =	vand.u32 $0x7, v36;
	v37 =	vand.u32 $0x7FFFFFC0, v37;
	s5 =	sadd.s32 s24, s5;
	s7 =	simm.s32 @!p0 $0x0;
	p0 =	sle.s32 s0, s13  }
0x3f: {  	v36 =	vor.u32 v36, v37;
	s24 =	simm.s32 $0x1;
	s20 =	spop (v2sf);
	s15 =	simm.s32 @!p0 $0x0  }
0x40: {  	v37 =	vperm.xlane v36, v18;
	p0 =	sle.s32 s3, s12;
	s1 =	sadd.s32 s7, s1;
	s7 =	simm.s32 $0x1  }
0x41: {  	s21 =	spop (v2sf);
	s5 =	sadd.s32 s15, s5;
	s24 =	simm.s32 @!p0 $0x0  }
0x42: {  	v37 =	vadd.s32 v19, v37;
	p0 =	sle.s32 s3, s13;
	s15 =	simm.s32 $0x1;
	s22 =	spop (v2sf)  }
0x43: {  	s1 =	sadd.s32 s24, s1;
	s7 =	simm.s32 @!p0 $0x0;
	p0 =	sle.s32 s2, s12  }
0x44: {  	s24 =	simm.s32 $0x1;
	s15 =	simm.s32 @!p0 $0x0;
	p0 =	sle.s32 s2, s13  }
0x45: {  	s5 =	sadd.s32 s7, s5;
	s7 =	simm.s32 $0x1;
	s23 =	spop (v2sf)  }
0x46: {  	s1 =	sadd.s32 s15, s1;
	s24 =	simm.s32 @!p0 $0x0;
	p0 =	sle.s32 s17, s12  }
0x47: {  	[tilespmem:s18], [sflag:$0x3] =	stream.indirect_vreg.gather [hbm4b:s8+s4], $0x80, v37, vm0, $0xb8;
	[tilespmem:$0x10080] =	vst v63  }
0x48: {  	s15 =	simm.s32 $0x1;
	s18 =	rddreg [dreg:$0x8];
	s5 =	sadd.s32 s24, s5  }
0x49: {  	s7 =	simm.s32 @!p0 $0x0;
	p0 =	sle.s32 s17, s13;
	s24 =	simm.s32 $0x1  }
0x4a: {  	p1 =	sle.s32 s23, s13;
	s15 =	simm.s32 @!p0 $0x0;
	p0 =	sle.s32 s11, s12  }
0x4b: {  	[tilespmem:s26], [sflag:$0x3] =	stream.indirect_vreg.gather [hbm4b:s18+s4], $0x80, v37, vm0, $0xb8;
	[tilespmem:$0x10080] =	vst v63  }
0x4c: {  	s1 =	sadd.s32 s7, s1;
	s7 =	simm.s32 $0x1;
	s25 =	simm.s32 @!p1 $0x0  }
0x4d: {  	s26 =	simm.s32 $0x7080;
	s5 =	sadd.s32 s15, s5;
	s24 =	simm.s32 @!p0 $0x0  }
0x4e: {  	p0 =	sle.s32 s11, s13;
	s15 =	simm.s32 $0x1;
	s1 =	sadd.s32 s24, s1  }
0x4f: {  	s7 =	simm.s32 @!p0 $0x0;
	p0 =	sle.s32 s16, s12;
	s24 =	simm.s32 $0x1  }
0x50: {  	[tilespmem:s28], [sflag:$0x3] =	stream.indirect_vreg.gather [hbm4b:s9+s4], $0x80, v37, vm0, $0xb8;
	[tilespmem:$0x10080] =	vst v63  }
0x51: {  	s15 =	simm.s32 @!p0 $0x0;
	p0 =	sle.s32 s16, s13;
	s5 =	sadd.s32 s7, s5  }
0x52: {  	s7 =	simm.s32 $0x1;
	s1 =	sadd.s32 s15, s1;
	s24 =	simm.s32 @!p0 $0x0  }
0x53: {  	[tilespmem:s29], [sflag:$0x3] =	stream.indirect_vreg.gather [hbm4b:s10+s4], $0x80, v37, vm0, $0xb8;
	[tilespmem:$0x10080] =	vst v63  }
0x54: {  	p0 =	sle.s32 s19, s12;
	s15 =	simm.s32 $0x1;
	s29 =	simm.s32 $0x7880  }
0x55: {  	s5 =	sadd.s32 s24, s5;
	s7 =	simm.s32 @!p0 $0x0;
	p0 =	sle.s32 s19, s13  }
0x56: {  	s24 =	simm.s32 $0x1;
	s15 =	simm.s32 @!p0 $0x0;
	p0 =	sle.s32 s20, s12  }
0x57: {  	s1 =	sadd.s32 s7, s1;
	s7 =	simm.s32 $0x1;
	s5 =	sadd.s32 s15, s5  }
0x58: {  	s24 =	simm.s32 @!p0 $0x0;
	p0 =	sle.s32 s20, s13;
	s15 =	simm.s32 $0x1  }
0x59: {  	v36 =	vperm.xlane v36, v20;
	s1 =	sadd.s32 s24, s1;
	s7 =	simm.s32 @!p0 $0x0;
	p0 =	sle.s32 s21, s12  }
0x5a: {  	s24 =	simm.s32 $0x1;
	s15 =	simm.s32 @!p0 $0x0;
	p0 =	sle.s32 s21, s13  }
0x5b: {  	v36 =	vadd.s32 v19, v36;
	s5 =	sadd.s32 s7, s5;
	s7 =	simm.s32 $0x1;
	s1 =	sadd.s32 s15, s1  }
0x5c: {  	s24 =	simm.s32 @!p0 $0x0;
	p0 =	sle.s32 s22, s12;
	s15 =	simm.s32 $0x1  }
0x5d: {  	s5 =	sadd.s32 s24, s5;
	s7 =	simm.s32 @!p0 $0x0;
	p0 =	sle.s32 s22, s13  }
0x5e: {  	s24 =	simm.s32 $0x6880;
	s1 =	sadd.s32 s7, s1;
	s15 =	simm.s32 @!p0 $0x0  }
0x5f: {  	p0 =	sle.s32 s23, s12;
	s12 =	simm.s32 $0x6080;
	s7 =	simm.s32 $0x1  }
0x60: {  	[tilespmem:s12], [sflag:$0x3] =	stream.indirect_vreg.gather [hbm4b:s8+s4], $0x80, v36, vm0, $0xb8;
	[tilespmem:$0x10080] =	vst v63  }
0x61: {  	s7 =	simm.s32 @!p0 $0x0;
	s5 =	sadd.s32 s15, s5;
	s15 =	simm.s32 $0xFFFFFFFF  }
0x62: {  	[tilespmem:s24], [sflag:$0x3] =	stream.indirect_vreg.gather [hbm4b:s18+s4], $0x80, v36, vm0, $0xb8;
	[tilespmem:$0x10080] =	vst v63  }
.Ltmp2:
0x63: {  	s28 =	sadd.s32 s25, s5;
	s24 =	sadd.s32 s7, s1;
	(pc) =	sbr.rel .LBB2_2-.Ltmp2, $4  }
0x64: {  	s25 =	rddreg [dreg:$0xb];
	s7 =	simm.s32 $0x0;
	p0 =	seq.s32 s24, s28  }
0x65: {  	[tilespmem:s26], [sflag:$0x3] =	stream.indirect_vreg.gather [hbm4b:s9+s4], $0x80, v36, vm0, $0xb8;
	[tilespmem:$0x10080] =	vst v63  }
0x66: {  	s24 =	simm.s32 @!p0 $0xFFFFFFFF;
	p0 =	por $0x1, $0x1;
	s26 =	rddreg [dreg:$0xa]  }
0x67: {  	[tilespmem:s29], [sflag:$0x3] =	stream.indirect_vreg.gather [hbm4b:s10+s4], $0x80, v36, vm0, $0xb8;
	[tilespmem:$0x10080] =	vst v63  }
.LBB2_6:
0x68: {  	p2 =	seq.s32 s28, s29;
	s7 =	sadd.s32 $0x20, s7  }
0x69: {  	s28 =	simm.s32 @!p2 $0xFFFFFFFF;
	p2 =	sne.s32 s7, $0x400  }
.Ltmp3:
0x6a: {  	_ = 	snop;
	(pc) =	sbr.rel @!p2 .LBB2_7-.Ltmp3, $4  }
0x6b: {  	_ = 	snop  }
0x6c: {  	p3 =	seq.s32 s1, s5  }
0x6d: {  	s26 =	sadd.s32 $0x2000, s26;
	s1 =	simm.s32 @!p3 $0xFFFFFFFF  }
0x6e: {  	s25 =	sadd.s32 $0x1000, s25;
	s24 =	smov.u32 @p1 s1;
	s15 =	smov.u32 s28  }
.LBB2_2:
0x6f: {  	s1 =	simm.s32 $0x1  }
0x70: {  	_ =	swait.ge [sflag:s1], $0x4000  }
0x71: {  	[sflag:s1] =	ssyncset.done $0x0  }
0x72: {  	[sflag:s1] =	ssyncadd.s32 $0xFFFFC000;
	s1 =	simm.s32 @p0 $0x3  }
0x73: {  	_ =	swait.ge @p0 [sflag:s1], $0x4000  }
0x74: {  	[sflag:s1] =	ssyncset.done @p0 $0x0  }
0x75: {  	s8 =	simm.s32 $0x80;
	[sflag:s1] =	ssyncadd.s32 @p0 $0xFFFFC000;
	p0 =	seq.s32 s7, $0x0  }
0x76: {  	[hbm4b:s26+s4] =	stream.linear.scatter [tilespmem:s8], [sflag:$0x5], $0x8000, $0x38;
	[tilespmem:$0x10080] =	vst v63  }
0x77: {  	s1 =	simm.s32 @!p0 $0x6  }
0x78: {  	_ =	swait.ge @!p0 [sflag:s1], $0x8000  }
0x79: {  	[sflag:s1] =	ssyncset.done @!p0 $0x0  }
0x7a: {  	s12 =	simm.s32 $0x8080;
	s18 =	rddreg [dreg:$0x5];
	[sflag:s1] =	ssyncadd.s32 @!p0 $0xFFFF8000  }
0x7b: {  	[tilespmem:s12], [sflag:$0x2] =	stream.linear.gather [hbm4b:s25+s4], $0x2000, $0x38;
	[tilespmem:$0x10080] =	vst v63  }
0x7c: {  	s13 =	sadd.s32 $0x400, s25;
	s5 =	simm.s32 $0xC080;
	s1 =	sadd.s32 s7, s18  }
0x7d: {  	[tilespmem:s5], [sflag:$0x2] =	stream.linear.gather [hbm4b:s13+s4], $0x2000, $0x38;
	[tilespmem:$0x10080] =	vst v63  }
0x7e: {  	s5 =	sadd.s32 $0x10, s1  }
0x7f: {  	s29 =	simm.s32 $0x1;
	s28 =	sadd.s32 $0x1F, s1;
	p0 =	sle.s32 s6, s5  }
0x80: {  	s18 =	simm.s32 $0x1;
	s29 =	simm.s32 @!p0 $0x0;
	p0 =	sle.s32 s6, s28  }
0x81: {  	s12 =	simm.s32 $0x1;
	s18 =	simm.s32 @!p0 $0x0;
	p0 =	sle.s32 s14, s5  }
0x82: {  	s13 =	simm.s32 $0x1;
	s12 =	simm.s32 @!p0 $0x0;
	p0 =	sle.s32 s14, s28  }
0x83: {  	s8 =	simm.s32 $0x1;
	s13 =	simm.s32 @!p0 $0x0;
	p0 =	sle.s32 s30, s5  }
0x84: {  	s12 =	sadd.s32 s12, s29;
	s13 =	sadd.s32 s13, s18;
	s8 =	simm.s32 @!p0 $0x0  }
0x85: {  	p0 =	sle.s32 s30, s28;
	s8 =	sadd.s32 s8, s12;
	s12 =	simm.s32 $0x1  }
0x86: {  	s18 =	simm.s32 $0x1;
	s12 =	simm.s32 @!p0 $0x0;
	p0 =	sle.s32 s31, s5  }
0x87: {  	p1 =	sle.s32 s23, s28;
	s29 =	simm.s32 $0x1;
	s18 =	simm.s32 @!p0 $0x0  }
0x88: {  	p0 =	sle.s32 s31, s28;
	s12 =	sadd.s32 s12, s13;
	s13 =	simm.s32 $0x1  }
0x89: {  	s8 =	sadd.s32 s18, s8;
	s29 =	simm.s32 @!p0 $0x0;
	p0 =	sle.s32 s0, s5  }
0x8a: {  	s18 =	simm.s32 $0x1;
	s13 =	simm.s32 @!p0 $0x0;
	p0 =	sle.s32 s0, s28  }
0x8b: {  	s12 =	sadd.s32 s29, s12;
	s29 =	simm.s32 $0x1;
	s18 =	simm.s32 @!p0 $0x0  }
0x8c: {  	p0 =	sle.s32 s3, s5;
	s8 =	sadd.s32 s13, s8;
	s13 =	simm.s32 $0x1  }
0x8d: {  	s12 =	sadd.s32 s18, s12;
	s29 =	simm.s32 @!p0 $0x0;
	p0 =	sle.s32 s3, s28  }
0x8e: {  	s18 =	simm.s32 $0x1;
	s13 =	simm.s32 @!p0 $0x0;
	p0 =	sle.s32 s2, s5  }
0x8f: {  	s8 =	sadd.s32 s29, s8;
	s29 =	simm.s32 $0x1;
	s18 =	simm.s32 @!p0 $0x0  }
0x90: {  	p0 =	sle.s32 s2, s28;
	s12 =	sadd.s32 s13, s12;
	s13 =	simm.s32 $0x1  }
0x91: {  	s8 =	sadd.s32 s18, s8;
	s29 =	simm.s32 @!p0 $0x0;
	p0 =	sle.s32 s17, s5  }
0x92: {  	s18 =	simm.s32 $0x1;
	s13 =	simm.s32 @!p0 $0x0;
	p0 =	sle.s32 s17, s28  }
0x93: {  	s12 =	sadd.s32 s29, s12;
	s29 =	simm.s32 $0x1;
	s18 =	simm.s32 @!p0 $0x0  }
0x94: {  	p0 =	sle.s32 s11, s5;
	s8 =	sadd.s32 s13, s8;
	s13 =	simm.s32 $0x1  }
0x95: {  	s12 =	sadd.s32 s18, s12;
	s29 =	simm.s32 @!p0 $0x0;
	p0 =	sle.s32 s11, s28  }
0x96: {  	s18 =	simm.s32 $0x1;
	s13 =	simm.s32 @!p0 $0x0;
	p0 =	sle.s32 s16, s5  }
0x97: {  	s8 =	sadd.s32 s29, s8;
	s29 =	simm.s32 $0x1;
	s18 =	simm.s32 @!p0 $0x0  }
0x98: {  	p0 =	sle.s32 s16, s28;
	s12 =	sadd.s32 s13, s12;
	s13 =	simm.s32 $0x1  }
0x99: {  	s8 =	sadd.s32 s18, s8;
	s29 =	simm.s32 @!p0 $0x0;
	p0 =	sle.s32 s19, s5  }
0x9a: {  	s18 =	simm.s32 $0x1;
	s13 =	simm.s32 @!p0 $0x0;
	p0 =	sle.s32 s19, s28  }
0x9b: {  	s12 =	sadd.s32 s29, s12;
	s29 =	simm.s32 $0x1;
	s18 =	simm.s32 @!p0 $0x0  }
0x9c: {  	p0 =	sle.s32 s20, s5;
	s8 =	sadd.s32 s13, s8;
	s13 =	simm.s32 $0x1  }
0x9d: {  	s12 =	sadd.s32 s18, s12;
	s29 =	simm.s32 @!p0 $0x0;
	p0 =	sle.s32 s20, s28  }
0x9e: {  	s18 =	simm.s32 $0x1;
	s13 =	simm.s32 @!p0 $0x0;
	p0 =	sle.s32 s21, s5  }
0x9f: {  	s8 =	sadd.s32 s29, s8;
	s29 =	simm.s32 $0x1;
	s18 =	simm.s32 @!p0 $0x0  }
0xa0: {  	p0 =	sle.s32 s21, s28;
	s12 =	sadd.s32 s13, s12;
	s13 =	simm.s32 $0x1  }
0xa1: {  	s8 =	sadd.s32 s18, s8;
	s29 =	simm.s32 @!p0 $0x0;
	p0 =	sle.s32 s22, s5  }
0xa2: {  	s18 =	simm.s32 $0x1;
	s12 =	sadd.s32 s29, s12;
	s13 =	simm.s32 @!p0 $0x0  }
0xa3: {  	p0 =	sle.s32 s22, s28;
	s29 =	simm.s32 $0x1;
	s8 =	sadd.s32 s13, s8  }
0xa4: {  	s18 =	simm.s32 @!p0 $0x0;
	p0 =	sle.s32 s23, s5;
	s13 =	simm.s32 $0x1  }
0xa5: {  	s29 =	simm.s32 @!p1 $0x0;
	s12 =	sadd.s32 s18, s12;
	s13 =	simm.s32 @!p0 $0x0  }
0xa6: {  	s28 =	sadd.s32 s13, s8;
	s29 =	sadd.s32 s29, s12  }
0xa7: {  	p5 =	sne.s32 s15, s28;
	p6 =	sne.s32 s28, s29  }
0xa8: {  	p0 =	por p5, p6  }
.Ltmp4:
0xa9: {  	_ = 	snop;
	(pc) =	sbr.rel @!p0 .LBB2_4-.Ltmp4, $1  }
0xaa: {  	_ =	sdelay $0x3  }
0xab: {  	v36 =	vor.u32 s5, v0  }
0xac: {  	vm1 =	vle.s32 v21, v36;
	vm2 =	vle.s32 v22, v36  }
0xad: {  	v37 =	vsel vm1, $0x1, v17;
	v38 =	vsel vm2, $0x1, v17;
	vm1 =	vle.s32 v23, v36  }
0xae: {  	v37 =	vadd.s32 v38, v37;
	v50 =	vsel vm1, $0x1, v17;
	vm1 =	vle.s32 v24, v36  }
0xaf: {  	v37 =	vadd.s32 v50, v37;
	v51 =	vsel vm1, $0x1, v17;
	vm1 =	vle.s32 v25, v36  }
0xb0: {  	v37 =	vadd.s32 v51, v37;
	v52 =	vsel vm1, $0x1, v17;
	vm1 =	vle.s32 v26, v36  }
0xb1: {  	v37 =	vadd.s32 v52, v37;
	v53 =	vsel vm1, $0x1, v17;
	vm1 =	vle.s32 v27, v36  }
0xb2: {  	v37 =	vadd.s32 v53, v37;
	v54 =	vsel vm1, $0x1, v17;
	vm1 =	vle.s32 v28, v36  }
0xb3: {  	v37 =	vadd.s32 v54, v37;
	v55 =	vsel vm1, $0x1, v17;
	vm1 =	vle.s32 v29, v36  }
0xb4: {  	v37 =	vadd.s32 v55, v37;
	v56 =	vsel vm1, $0x1, v17;
	vm1 =	vle.s32 v30, v36  }
0xb5: {  	v37 =	vadd.s32 v56, v37;
	v57 =	vsel vm1, $0x1, v17;
	vm1 =	vle.s32 v31, v36  }
0xb6: {  	v37 =	vadd.s32 v57, v37;
	v58 =	vsel vm1, $0x1, v17;
	vm1 =	vle.s32 v32, v36  }
0xb7: {  	v37 =	vadd.s32 v58, v37;
	v59 =	vsel vm1, $0x1, v17;
	vm1 =	vle.s32 v33, v36  }
0xb8: {  	v37 =	vadd.s32 v59, v37;
	v60 =	vsel vm1, $0x1, v17;
	vm1 =	vle.s32 v34, v36  }
0xb9: {  	v37 =	vadd.s32 v60, v37;
	v61 =	vsel vm1, $0x1, v17;
	vm1 =	vle.s32 v35, v36  }
0xba: {  	v62 =	vadd.s32 v61, v37;
	v63 =	vsel vm1, $0x1, v17  }
0xbb: {  	v36 =	vadd.s32 v63, v62  }
0xbc: {  	v37 =	vshll.u32 v36, $0x3  }
0xbd: {  	v36 =	vand.u32 $0x7, v36;
	v37 =	vand.u32 $0x7FFFFFC0, v37  }
0xbe: {  	v36 =	vor.u32 v36, v37  }
0xbf: {  	v37 =	vperm.xlane v36, v18;
	_ =	sdelay $0x1  }
0xc0: {  	v37 =	vadd.s32 v19, v37;
	_ =	sdelay $0x3  }
0xc1: {  	s5 =	rddreg [dreg:$0x0];
	s8 =	simm.s32 $0xA080  }
0xc2: {  	[tilespmem:s8], [sflag:$0x4] =	stream.indirect_vreg.gather [hbm4b:s5+s4], $0x80, v37, vm0, $0xb8;
	[tilespmem:$0x10080] =	vst v63  }
0xc3: {  	s12 =	simm.s32 $0xA880;
	v36 =	vperm.xlane v36, v20;
	s8 =	rddreg [dreg:$0x8]  }
0xc4: {  	[tilespmem:s12], [sflag:$0x4] =	stream.indirect_vreg.gather [hbm4b:s8+s4], $0x80, v37, vm0, $0xb8;
	[tilespmem:$0x10080] =	vst v63  }
0xc5: {  	s13 =	simm.s32 $0xB080;
	v36 =	vadd.s32 v19, v36  }
0xc6: {  	[tilespmem:s13], [sflag:$0x4] =	stream.indirect_vreg.gather [hbm4b:s9+s4], $0x80, v37, vm0, $0xb8;
	[tilespmem:$0x10080] =	vst v63  }
0xc7: {  	s15 =	simm.s32 $0xB880  }
0xc8: {  	[tilespmem:s15], [sflag:$0x4] =	stream.indirect_vreg.gather [hbm4b:s10+s4], $0x80, v37, vm0, $0xb8;
	[tilespmem:$0x10080] =	vst v63  }
0xc9: {  	s18 =	simm.s32 $0xE080  }
0xca: {  	[tilespmem:s18], [sflag:$0x4] =	stream.indirect_vreg.gather [hbm4b:s5+s4], $0x80, v36, vm0, $0xb8;
	[tilespmem:$0x10080] =	vst v63  }
0xcb: {  	s13 =	simm.s32 $0xE880  }
0xcc: {  	[tilespmem:s13], [sflag:$0x4] =	stream.indirect_vreg.gather [hbm4b:s8+s4], $0x80, v36, vm0, $0xb8;
	[tilespmem:$0x10080] =	vst v63  }
0xcd: {  	s15 =	simm.s32 $0xF080  }
0xce: {  	[tilespmem:s15], [sflag:$0x4] =	stream.indirect_vreg.gather [hbm4b:s9+s4], $0x80, v36, vm0, $0xb8;
	[tilespmem:$0x10080] =	vst v63  }
0xcf: {  	s18 =	simm.s32 $0xF880  }
0xd0: {  	[tilespmem:s18], [sflag:$0x4] =	stream.indirect_vreg.gather [hbm4b:s10+s4], $0x80, v36, vm0, $0xb8;
	[tilespmem:$0x10080] =	vst v63  }
.LBB2_4:
0xd1: {  	s5 =	simm.s32 $0x2  }
0xd2: {  	_ =	swait.ge [sflag:s5], $0x4000  }
0xd3: {  	[sflag:s5] =	ssyncset.done $0x0  }
0xd4: {  	[sflag:s5] =	ssyncadd.s32 $0xFFFFC000;
	s5 =	simm.s32 @p0 $0x4  }
0xd5: {  	_ =	swait.ge @p0 [sflag:s5], $0x4000  }
0xd6: {  	s15 =	sadd.s32 $0x1000, s26;
	[sflag:s5] =	ssyncset.done @p0 $0x0  }
0xd7: {  	s8 =	simm.s32 $0x8080;
	s18 =	simm.s32 $0x5;
	[sflag:s5] =	ssyncadd.s32 @p0 $0xFFFFC000  }
0xd8: {  	[hbm4b:s15+s4] =	stream.linear.scatter [tilespmem:s8], [sflag:$0x6], $0x8000, $0x38;
	[tilespmem:$0x10080] =	vst v63  }
0xd9: {  	p0 =	seq.s32 s7, $0x3E0;
	_ =	swait.ge [sflag:s18], $0x8000  }
0xda: {  	s5 =	sadd.s32 @!p0 $0x800, s25;
	[sflag:s18] =	ssyncset.done $0x0  }
0xdb: {  	s8 =	simm.s32 @!p0 $0x0;
	s12 =	simm.s32 @!p0 $0x80;
	[sflag:s18] =	ssyncadd.s32 $0xFFFF8000  }
0xdc: {  	[tilespmem:s12], [sflag:$0x1] =	stream.linear.gather @!p0 [hbm4b:s5+s8], $0x2000, $0x38;
	[tilespmem:$0x10080] =	vst v63  }
0xdd: {  	s15 =	sadd.s32 $0x20, s1;
	s5 =	sadd.s32 @!p0 $0xC00, s25;
	s12 =	simm.s32 @!p0 $0x4080  }
0xde: {  	[tilespmem:s12], [sflag:$0x1] =	stream.linear.gather @!p0 [hbm4b:s5+s8], $0x2000, $0x38;
	[tilespmem:$0x10080] =	vst v63  }
0xdf: {  	s1 =	sadd.s32 $0x2F, s1;
	p0 =	sle.s32 s6, s15;
	s5 =	simm.s32 $0x1  }
0xe0: {  	s8 =	simm.s32 $0x1;
	s5 =	simm.s32 @!p0 $0x0;
	p0 =	sle.s32 s6, s1  }
0xe1: {  	s12 =	simm.s32 $0x1;
	s8 =	simm.s32 @!p0 $0x0;
	p0 =	sle.s32 s14, s15  }
0xe2: {  	s13 =	simm.s32 $0x1;
	s12 =	simm.s32 @!p0 $0x0;
	p0 =	sle.s32 s14, s1  }
0xe3: {  	p1 =	sle.s32 s23, s1;
	s18 =	simm.s32 $0x1;
	s13 =	simm.s32 @!p0 $0x0  }
0xe4: {  	p0 =	sle.s32 s30, s15;
	s5 =	sadd.s32 s12, s5;
	s12 =	simm.s32 $0x1  }
0xe5: {  	s8 =	sadd.s32 s13, s8;
	s18 =	simm.s32 @!p0 $0x0;
	p0 =	sle.s32 s30, s1  }
0xe6: {  	s13 =	simm.s32 $0x1;
	s12 =	simm.s32 @!p0 $0x0;
	p0 =	sle.s32 s31, s15  }
0xe7: {  	s5 =	sadd.s32 s18, s5;
	s18 =	simm.s32 $0x1;
	s13 =	simm.s32 @!p0 $0x0  }
0xe8: {  	p0 =	sle.s32 s31, s1;
	s8 =	sadd.s32 s12, s8;
	s12 =	simm.s32 $0x1  }
0xe9: {  	s5 =	sadd.s32 s13, s5;
	s18 =	simm.s32 @!p0 $0x0;
	p0 =	sle.s32 s0, s15  }
0xea: {  	s13 =	simm.s32 $0x1;
	s12 =	simm.s32 @!p0 $0x0;
	p0 =	sle.s32 s0, s1  }
0xeb: {  	s8 =	sadd.s32 s18, s8;
	s18 =	simm.s32 $0x1;
	s13 =	simm.s32 @!p0 $0x0  }
0xec: {  	p0 =	sle.s32 s3, s15;
	s5 =	sadd.s32 s12, s5;
	s12 =	simm.s32 $0x1  }
0xed: {  	s8 =	sadd.s32 s13, s8;
	s18 =	simm.s32 @!p0 $0x0;
	p0 =	sle.s32 s3, s1  }
0xee: {  	s13 =	simm.s32 $0x1;
	s12 =	simm.s32 @!p0 $0x0;
	p0 =	sle.s32 s2, s15  }
0xef: {  	s5 =	sadd.s32 s18, s5;
	s18 =	simm.s32 $0x1;
	s13 =	simm.s32 @!p0 $0x0  }
0xf0: {  	p0 =	sle.s32 s2, s1;
	s8 =	sadd.s32 s12, s8;
	s12 =	simm.s32 $0x1  }
0xf1: {  	s5 =	sadd.s32 s13, s5;
	s18 =	simm.s32 @!p0 $0x0;
	p0 =	sle.s32 s17, s15  }
0xf2: {  	s13 =	simm.s32 $0x1;
	s12 =	simm.s32 @!p0 $0x0;
	p0 =	sle.s32 s17, s1  }
0xf3: {  	s8 =	sadd.s32 s18, s8;
	s18 =	simm.s32 $0x1;
	s13 =	simm.s32 @!p0 $0x0  }
0xf4: {  	p0 =	sle.s32 s11, s15;
	s5 =	sadd.s32 s12, s5;
	s12 =	simm.s32 $0x1  }
0xf5: {  	s8 =	sadd.s32 s13, s8;
	s18 =	simm.s32 @!p0 $0x0;
	p0 =	sle.s32 s11, s1  }
0xf6: {  	s13 =	simm.s32 $0x1;
	s12 =	simm.s32 @!p0 $0x0;
	p0 =	sle.s32 s16, s15  }
0xf7: {  	s5 =	sadd.s32 s18, s5;
	s18 =	simm.s32 $0x1;
	s13 =	simm.s32 @!p0 $0x0  }
0xf8: {  	p0 =	sle.s32 s16, s1;
	s8 =	sadd.s32 s12, s8;
	s12 =	simm.s32 $0x1  }
0xf9: {  	s5 =	sadd.s32 s13, s5;
	s18 =	simm.s32 @!p0 $0x0;
	p0 =	sle.s32 s19, s15  }
0xfa: {  	s13 =	simm.s32 $0x1;
	s12 =	simm.s32 @!p0 $0x0;
	p0 =	sle.s32 s19, s1  }
0xfb: {  	s8 =	sadd.s32 s18, s8;
	s18 =	simm.s32 $0x1;
	s13 =	simm.s32 @!p0 $0x0  }
0xfc: {  	p0 =	sle.s32 s20, s15;
	s5 =	sadd.s32 s12, s5;
	s12 =	simm.s32 $0x1  }
0xfd: {  	s8 =	sadd.s32 s13, s8;
	s18 =	simm.s32 @!p0 $0x0;
	p0 =	sle.s32 s20, s1  }
0xfe: {  	s13 =	simm.s32 $0x1;
	s12 =	simm.s32 @!p0 $0x0;
	p0 =	sle.s32 s21, s15  }
0xff: {  	s5 =	sadd.s32 s18, s5;
	s18 =	simm.s32 $0x1;
	s13 =	simm.s32 @!p0 $0x0  }
0x100: {  	p0 =	sle.s32 s21, s1;
	s8 =	sadd.s32 s12, s8;
	s12 =	simm.s32 $0x1  }
0x101: {  	s5 =	sadd.s32 s13, s5;
	s18 =	simm.s32 @!p0 $0x0;
	p0 =	sle.s32 s22, s15  }
0x102: {  	s13 =	simm.s32 $0x1;
	s8 =	sadd.s32 s18, s8;
	s12 =	simm.s32 @!p0 $0x0  }
0x103: {  	p0 =	sle.s32 s22, s1;
	s18 =	simm.s32 $0x1;
	s5 =	sadd.s32 s12, s5  }
0x104: {  	s13 =	simm.s32 @!p0 $0x0;
	p0 =	sle.s32 s23, s15;
	s12 =	simm.s32 $0x1  }
0x105: {  	s18 =	simm.s32 @!p1 $0x0;
	s8 =	sadd.s32 s13, s8;
	s12 =	simm.s32 @!p0 $0x0  }
0x106: {  	s1 =	sadd.s32 s12, s5;
	s5 =	sadd.s32 s18, s8  }
0x107: {  	p6 =	sne.s32 s1, s5;
	p2 =	sne.s32 s24, s1  }
0x108: {  	p1 =	sne.s32 s7, $0x3E0;
	p0 =	por p2, p6  }
0x109: {  	p0 =	por !p1, !p0  }
0x10a: {  	p0 =	por !p0, !p0  }
.Ltmp5:
0x10b: {  	_ = 	snop;
	(pc) =	sbr.rel @!p0 .LBB2_6-.Ltmp5, $1  }
0x10c: {  	_ =	sdelay $0x3  }
0x10d: {  	v36 =	vor.u32 s15, v0  }
0x10e: {  	vm1 =	vle.s32 v21, v36;
	vm2 =	vle.s32 v22, v36  }
0x10f: {  	v37 =	vsel vm1, $0x1, v17;
	v38 =	vsel vm2, $0x1, v17;
	vm1 =	vle.s32 v23, v36  }
0x110: {  	v37 =	vadd.s32 v38, v37;
	v50 =	vsel vm1, $0x1, v17;
	vm1 =	vle.s32 v24, v36  }
0x111: {  	v37 =	vadd.s32 v50, v37;
	v51 =	vsel vm1, $0x1, v17;
	vm1 =	vle.s32 v25, v36  }
0x112: {  	v37 =	vadd.s32 v51, v37;
	v52 =	vsel vm1, $0x1, v17;
	vm1 =	vle.s32 v26, v36  }
0x113: {  	v37 =	vadd.s32 v52, v37;
	v53 =	vsel vm1, $0x1, v17;
	vm1 =	vle.s32 v27, v36  }
0x114: {  	v37 =	vadd.s32 v53, v37;
	v54 =	vsel vm1, $0x1, v17;
	vm1 =	vle.s32 v28, v36  }
0x115: {  	v37 =	vadd.s32 v54, v37;
	v55 =	vsel vm1, $0x1, v17;
	vm1 =	vle.s32 v29, v36  }
0x116: {  	v37 =	vadd.s32 v55, v37;
	v56 =	vsel vm1, $0x1, v17;
	vm1 =	vle.s32 v30, v36  }
0x117: {  	v37 =	vadd.s32 v56, v37;
	v57 =	vsel vm1, $0x1, v17;
	vm1 =	vle.s32 v31, v36  }
0x118: {  	v37 =	vadd.s32 v57, v37;
	v58 =	vsel vm1, $0x1, v17;
	vm1 =	vle.s32 v32, v36  }
0x119: {  	v37 =	vadd.s32 v58, v37;
	v59 =	vsel vm1, $0x1, v17;
	vm1 =	vle.s32 v33, v36  }
0x11a: {  	v37 =	vadd.s32 v59, v37;
	v60 =	vsel vm1, $0x1, v17;
	vm1 =	vle.s32 v34, v36  }
0x11b: {  	v37 =	vadd.s32 v60, v37;
	v61 =	vsel vm1, $0x1, v17;
	vm1 =	vle.s32 v35, v36  }
0x11c: {  	v62 =	vadd.s32 v61, v37;
	v63 =	vsel vm1, $0x1, v17  }
0x11d: {  	v36 =	vadd.s32 v63, v62  }
0x11e: {  	v37 =	vshll.u32 v36, $0x3  }
0x11f: {  	v36 =	vand.u32 $0x7, v36;
	v37 =	vand.u32 $0x7FFFFFC0, v37  }
0x120: {  	v36 =	vor.u32 v36, v37  }
0x121: {  	v37 =	vperm.xlane v36, v18;
	_ =	sdelay $0x1  }
0x122: {  	v37 =	vadd.s32 v19, v37;
	_ =	sdelay $0x3  }
0x123: {  	s8 =	rddreg [dreg:$0x0];
	s12 =	simm.s32 $0x2080  }
0x124: {  	[tilespmem:s12], [sflag:$0x3] =	stream.indirect_vreg.gather [hbm4b:s8+s4], $0x80, v37, vm0, $0xb8;
	[tilespmem:$0x10080] =	vst v63  }
0x125: {  	s13 =	simm.s32 $0x2880;
	v36 =	vperm.xlane v36, v20;
	s12 =	rddreg [dreg:$0x8]  }
0x126: {  	[tilespmem:s13], [sflag:$0x3] =	stream.indirect_vreg.gather [hbm4b:s12+s4], $0x80, v37, vm0, $0xb8;
	[tilespmem:$0x10080] =	vst v63  }
0x127: {  	s18 =	simm.s32 $0x3080;
	v36 =	vadd.s32 v19, v36  }
0x128: {  	[tilespmem:s18], [sflag:$0x3] =	stream.indirect_vreg.gather [hbm4b:s9+s4], $0x80, v37, vm0, $0xb8;
	[tilespmem:$0x10080] =	vst v63  }
0x129: {  	s15 =	simm.s32 $0x3880  }
0x12a: {  	[tilespmem:s15], [sflag:$0x3] =	stream.indirect_vreg.gather [hbm4b:s10+s4], $0x80, v37, vm0, $0xb8;
	[tilespmem:$0x10080] =	vst v63  }
0x12b: {  	s18 =	simm.s32 $0x6080  }
0x12c: {  	[tilespmem:s18], [sflag:$0x3] =	stream.indirect_vreg.gather [hbm4b:s8+s4], $0x80, v36, vm0, $0xb8;
	[tilespmem:$0x10080] =	vst v63  }
0x12d: {  	s13 =	simm.s32 $0x6880  }
0x12e: {  	[tilespmem:s13], [sflag:$0x3] =	stream.indirect_vreg.gather [hbm4b:s12+s4], $0x80, v36, vm0, $0xb8;
	[tilespmem:$0x10080] =	vst v63  }
.Ltmp6:
0x12f: {  	_ = 	snop;
	(pc) =	sbr.rel .LBB2_6-.Ltmp6, $4  }
0x130: {  	s15 =	simm.s32 $0x7080  }
0x131: {  	[tilespmem:s15], [sflag:$0x3] =	stream.indirect_vreg.gather [hbm4b:s9+s4], $0x80, v36, vm0, $0xb8;
	[tilespmem:$0x10080] =	vst v63  }
0x132: {  	s18 =	simm.s32 $0x7880  }
0x133: {  	[tilespmem:s18], [sflag:$0x3] =	stream.indirect_vreg.gather [hbm4b:s10+s4], $0x80, v36, vm0, $0xb8;
	[tilespmem:$0x10080] =	vst v63  }
.LBB2_8:
0x134: {  	_ =	sfence.sel $0x180000  }
0x135: {  	[bflag:$0x0] =	sbarrier.arrive $0xFFFF  }
0x136: {  	_ =	strace $0x90000047  }
0x137: {  	s0 =	stileid.u32;
	[bflag:$0x2] =	sbarrier.arrive $0xFFFF  }
0x138: {  	p0 =	sne.s32 s0, $0x0;
	s0 =	rddreg [dreg:$0x4]  }
0x139: {  	s0 =	sadd.s32 @!p0 $0x100000, s0  }
0x13a: {  	[sflag:s0] =	ssyncadd.tile.s32 @!p0 $0x1;
	_ =	shalt  }
.Lfunc_end2:
_tile_overlayer_lowered:
.L_overlay_start_2:
0x13b: {  	(tag) =	ssettag $0x2  }
0x13c: {  	s0 =	rddreg [dreg:$0x0];
	s2 =	stileid.u32  }
0x13d: {  	s1 =	rddreg [dreg:$0x1];
	p0 =	sne.s32 s2, $0x0  }
0x13e: {  	s3 =	rddreg [dreg:$0x2];
	[bflag:$0x3] =	sbarrier.arrive $0xFFFF;
	s2 =	simm.s32 @!p0 $0x1C07  }
0x13f: {  	[timem:s3], [sflag:s2] =	dma.local @!p0 [hbm:s0], s1  }
0x140: {  	s0 =	simm.s32 @!p0 $0x7  }
0x141: {  	_ =	swait.ge @!p0 [sflag:s0], s1  }
0x142: {  	s1 =	ssub.s32 @!p0 $0x0, s1;
	[sflag:s0] =	ssyncset.done @!p0 $0x0  }
0x143: {  	[sflag:s0] =	ssyncadd.s32 @!p0 s1  }
0x144: {  	[bflag:$0x3] =	sbarrier.arrive $0xFFFF  }
0x145: {  	_ =	shalt  }

</sc_bundles>
